<compile_context>
chip_gen: v7x
topology: tpu7x:2x2x1
jax: 0.10.2.dev20260603
libtpu: 0.0.44.dev20260713+nightly
codegen_flags: <defaults>
</compile_context>

<pallas_src>
import functools

import jax
import jax.numpy as jnp
from jax import lax
from jax.experimental import pallas as pl
from jax.experimental.pallas import tpu as pltpu
from jax.experimental.pallas import tpu_sc as plsc

B, G, C, H = 16, 256, 128, 256
TAU, SINKHORN_ITERS = 0.1, 10
NCHUNK = G // 16


def _lse_last(x):
    m = jnp.max(x, axis=-1, keepdims=True)
    e = jnp.exp(x - m)
    s = jnp.dot(e, jnp.ones((G, 1), jnp.float32),
                preferred_element_type=jnp.float32,
                precision=lax.Precision.HIGHEST)
    return m + jnp.log(s)


def _lse_sub(x):
    m = jnp.max(x, axis=-2, keepdims=True)
    e = jnp.exp(x - m)
    s = jnp.dot(jnp.ones((1, G), jnp.float32), e,
                preferred_element_type=jnp.float32,
                precision=lax.Precision.HIGHEST)
    return m + jnp.log(s)


def _tc_scores_body(gf_ref, w1_ref, b1_ref, w2_ref, b2_ref, p_ref):
    gf = gf_ref[0]
    h = jnp.maximum(
        jnp.dot(gf, w1_ref[...], preferred_element_type=jnp.float32)
        + b1_ref[...], 0.0)
    scores = jnp.dot(h, w2_ref[...], preferred_element_type=jnp.float32) \
        + b2_ref[...]

    la = scores / TAU

    def sk(_, la):
        la = la - _lse_last(la)
        la = la - _lse_sub(la)
        return la

    la = lax.fori_loop(0, SINKHORN_ITERS, sk, la)
    p_ref[0] = jnp.exp(la)


def _store1(ref, idx, val, dtype):
    lanes = lax.iota(jnp.int32, 16)
    plsc.store_scatter(
        ref,
        [jnp.full((16,), idx, jnp.int32)],
        jnp.full((16,), val, dtype),
        mask=lanes == 0,
    )


def _sc_body(p_hbm, gf_hbm, cc_hbm, perm_hbm, rc_hbm, rf_hbm,
             pv, gf_v, cc_v, rc_v, bound, colmask, supermax, permv,
             idx_a, idx_b, sem_gf, sem_rf):
    cid = lax.axis_index("c")
    sid = lax.axis_index("s")
    wid = sid * 2 + cid

    @pl.when(wid < B)
    def _():
        gf_copy = pltpu.make_async_copy(gf_hbm.at[wid], gf_v, sem_gf)
        gf_copy.start()
        pltpu.sync_copy(p_hbm.at[wid], pv)
        pltpu.sync_copy(cc_hbm.at[wid], cc_v)
        lanes = lax.iota(jnp.int32, 16)

        def init_cm(k, carry):
            colmask[pl.ds(k * 16, 16)] = jnp.zeros((16,), jnp.float32)
            return carry

        lax.fori_loop(0, NCHUNK, init_cm, 0)

        def init_row(r, carry):
            m = pv[pl.ds(r * G, 16)]
            for k in range(1, NCHUNK):
                m = jnp.maximum(m, pv[pl.ds(r * G + k * 16, 16)])
            _store1(bound, r, jnp.max(m), jnp.float32)
            return carry

        lax.fori_loop(0, G, init_row, 0)

        def init_sm(j, carry):
            _store1(supermax, j, jnp.max(bound[pl.ds(j * 16, 16)]),
                    jnp.float32)
            return carry

        lax.fori_loop(0, 16, init_sm, 0)

        def cond(carry):
            n, it = carry
            return (n < G) & (it < G * G + G)

        def body(carry):
            n, it = carry
            sv = supermax[pl.ds(0, 16)]
            gm = jnp.max(sv)
            j = plsc.all_reduce_ffs(sv == gm)[0]
            bv = bound[pl.ds(j * 16, 16)]
            rloc = plsc.all_reduce_ffs(bv == gm)[0]
            r = j * 16 + rloc
            base = r * G
            best_v = pv[pl.ds(base, 16)] + colmask[pl.ds(0, 16)]
            best_i = lanes
            for k in range(1, NCHUNK):
                v = pv[pl.ds(base + k * 16, 16)] + colmask[pl.ds(k * 16, 16)]
                upd = v > best_v
                best_v = jnp.where(upd, v, best_v)
                best_i = jnp.where(upd, lanes + k * 16, best_i)
            m2 = jnp.max(best_v)
            cnd = jnp.min(jnp.where(best_v == m2, best_i, G))
            eq = m2 >= gm
            _store1(bound, r,
                    jnp.where(eq, jnp.float32(-1e9), m2), jnp.float32)
            _store1(colmask, jnp.where(eq, cnd, G), jnp.float32(-4.0),
                    jnp.float32)
            _store1(permv, jnp.where(eq, r, G), cnd, jnp.int32)
            _store1(supermax, j, jnp.max(bound[pl.ds(j * 16, 16)]),
                    jnp.float32)
            return (n + jnp.where(eq, 1, 0).astype(jnp.int32), it + 1)

        lax.while_loop(cond, body, (jnp.int32(0), jnp.int32(0)))
        pltpu.sync_copy(permv.at[pl.ds(0, G)], perm_hbm.at[wid])

        def rc_scatter(k, carry):
            pk = permv[pl.ds(k * 16, 16)]
            src = (k * 16 + lanes) * 3
            for d in range(3):
                vals = plsc.load_gather(cc_v, [src + d])
                plsc.store_scatter(rc_v, [pk * 3 + d], vals)
            return carry

        lax.fori_loop(0, NCHUNK, rc_scatter, 0)
        pltpu.sync_copy(rc_v, rc_hbm.at[wid])

        def mk_idx(k, carry):
            pk = permv[pl.ds(k * 16, 16)] + wid * G
            h = k - 8
            @pl.when(k < 8)
            def _():
                idx_a[pl.ds(k * 16, 16)] = pk
            @pl.when(k >= 8)
            def _():
                idx_b[pl.ds(h * 16, 16)] = pk
            return carry

        lax.fori_loop(0, NCHUNK, mk_idx, 0)
        gf_copy.wait()
        pltpu.make_async_copy(gf_v.at[pl.ds(0, G // 2)],
                              rf_hbm.at[idx_a], sem_rf).start()
        pltpu.make_async_copy(gf_v.at[pl.ds(G // 2, G // 2)],
                              rf_hbm.at[idx_b], sem_rf).start()
        pltpu.make_async_copy(gf_v.at[pl.ds(0, G // 2)],
                              rf_hbm.at[idx_a], sem_rf).wait()
        pltpu.make_async_copy(gf_v.at[pl.ds(G // 2, G // 2)],
                              rf_hbm.at[idx_b], sem_rf).wait()


_sc_greedy_apply = functools.partial(
    pl.kernel,
    mesh=plsc.VectorSubcoreMesh(core_axis_name="c", subcore_axis_name="s"),
    out_type=[
        jax.ShapeDtypeStruct((B, G), jnp.int32),
        jax.ShapeDtypeStruct((B, G * 3), jnp.float32),
        jax.ShapeDtypeStruct((B * G, C), jnp.float32),
    ],
    compiler_params=pltpu.CompilerParams(needs_layout_passes=False),
    scratch_types=[
        pltpu.VMEM((G * G,), jnp.float32),
        pltpu.VMEM((G, C), jnp.float32),
        pltpu.VMEM((G * 3,), jnp.float32),
        pltpu.VMEM((G * 3,), jnp.float32),
        pltpu.VMEM((G,), jnp.float32),
        pltpu.VMEM((G + 16,), jnp.float32),
        pltpu.VMEM((16,), jnp.float32),
        pltpu.VMEM((G + 16,), jnp.int32),
        pltpu.VMEM((G // 2,), jnp.int32),
        pltpu.VMEM((G // 2,), jnp.int32),
        pltpu.SemaphoreType.DMA,
        pltpu.SemaphoreType.DMA,
    ],
)(_sc_body)


def kernel(center_coords, group_features, W1, b1, W2, b2):
    b1r = b1.reshape(1, H)
    b2r = b2.reshape(1, G)
    P = pl.pallas_call(
        _tc_scores_body,
        grid=(B,),
        in_specs=[
            pl.BlockSpec((1, G, C), lambda b: (b, 0, 0)),
            pl.BlockSpec((C, H), lambda b: (0, 0)),
            pl.BlockSpec((1, H), lambda b: (0, 0)),
            pl.BlockSpec((H, G), lambda b: (0, 0)),
            pl.BlockSpec((1, G), lambda b: (0, 0)),
        ],
        out_specs=pl.BlockSpec((1, G, G), lambda b: (b, 0, 0)),
        out_shape=jax.ShapeDtypeStruct((B, G, G), jnp.float32),
    )(group_features, W1, b1r, W2, b2r)

    perm, rc_flat, rf_flat = _sc_greedy_apply(
        P.reshape(B, G * G), group_features, center_coords.reshape(B, G * 3))
    return (rc_flat.reshape(B, G, 3), rf_flat.reshape(B, G, C), perm)

# --- scband reference (transcript-rebuilt; emitter-appended) ---
"""Pipeline reference for scband-ordering-net-v4-75849122447995 (READ-ONLY COPY).

The authoritative reference and input builder live on the scoring server;
editing this copy changes nothing except your own understanding.
"""

import jax, jax.numpy as jnp
import numpy as np

B, G, C, H = 16, 256, 128, 256
TAU, ITERS = 0.1, 10


def setup_inputs(seed: int = 0) -> dict:
    key = jax.random.key(seed)
    k1, k2, k3, k4 = jax.random.split(key, 4)
    center_coords = jax.random.normal(k1, (B, G, 3), dtype=jnp.float32)
    group_features = jax.random.normal(k2, (B, G, C), dtype=jnp.float32)
    lim1 = float(np.sqrt(6.0 / (C + H)))
    lim2 = float(np.sqrt(6.0 / (H + G)))
    W1 = jax.random.uniform(k3, (C, H), jnp.float32, -lim1, lim1)
    b1 = jnp.zeros((H,), jnp.float32)
    W2 = jax.random.uniform(k4, (H, G), jnp.float32, -lim2, lim2)
    b2 = jnp.zeros((G,), jnp.float32)
    return {"center_coords": center_coords, "group_features": group_features, "W1": W1, "b1": b1, "W2": W2, "b2": b2}


def _logsumexp(x, axis):
    m = jnp.max(x, axis=axis, keepdims=True)
    return m + jnp.log(jnp.sum(jnp.exp(x - m), axis=axis, keepdims=True))


def _sinkhorn(scores):
    la = scores / TAU
    for _ in range(ITERS):
        la = la - _logsumexp(la, -1)
        la = la - _logsumexp(la, -2)
    return jnp.exp(la)


def _greedy_assign(P_b):
    # Greedy hard-assignment: iterate flattened scores in descending order,
    # assign orig_pos -> new_pos when both are still free (matches torch loop).
    flat = P_b.reshape(-1)
    order = jnp.argsort(-flat)

    def step(carry, idx):
        assignment, used = carry
        orig = idx // G
        new = idx % G
        can = (assignment[orig] < 0) & jnp.logical_not(used[new])
        assignment = assignment.at[orig].set(jnp.where(can, new.astype(jnp.int32), assignment[orig]))
        used = used.at[new].set(used[new] | can)
        return (assignment, used), None

    init = (jnp.full((G,), -1, dtype=jnp.int32), jnp.zeros((G,), dtype=bool))
    (assignment, _), _ = jax.lax.scan(step, init, order)
    return assignment


def _apply_perm(data, perm):
    # reordered[new_pos] = data[orig_pos] with new_pos = perm[orig_pos] (scatter-overwrite)
    return jnp.zeros_like(data).at[perm].set(data)


def reference(center_coords, group_features, W1, b1, W2, b2):
    h = jax.nn.relu(group_features @ W1 + b1)
    scores = h @ W2 + b2  # (B, G, G)
    P = _sinkhorn(scores)
    perm = jax.vmap(_greedy_assign)(P)  # (B, G) int32
    rc = jax.vmap(_apply_perm)(center_coords, perm)
    rf = jax.vmap(_apply_perm)(group_features, perm)
    return (rc, rf, perm)

if __name__ == "__main__":
    import jax
    _d = setup_inputs()
    print(jax.jit(kernel)(*tuple(_d.values())))

</pallas_src>

<mosaic_0001>
#map = affine_map<(d0, d1) -> (0, 0)>
#map1 = affine_map<(d0, d1) -> (0, 0, 0)>
module attributes {stable_mosaic.version = 14 : i64} {
  func.func @_sc_body(%arg0: i32, %arg1: i32, %arg2: memref<16x65536xf32, #tpu.memory_space<hbm>>, %arg3: memref<16x256x128xf32, #tpu.memory_space<hbm>>, %arg4: memref<16x768xf32, #tpu.memory_space<hbm>>, %arg5: memref<16x256xi32, #tpu.memory_space<hbm>>, %arg6: memref<16x768xf32, #tpu.memory_space<hbm>>, %arg7: memref<4096x128xf32, #tpu.memory_space<hbm>>, %arg8: memref<65536xf32, #tpu.memory_space<vmem>>, %arg9: memref<256x128xf32, #tpu.memory_space<vmem>>, %arg10: memref<768xf32, #tpu.memory_space<vmem>>, %arg11: memref<768xf32, #tpu.memory_space<vmem>>, %arg12: memref<256xf32, #tpu.memory_space<vmem>>, %arg13: memref<272xf32, #tpu.memory_space<vmem>>, %arg14: memref<16xf32, #tpu.memory_space<vmem>>, %arg15: memref<272xi32, #tpu.memory_space<vmem>>, %arg16: memref<128xi32, #tpu.memory_space<vmem>>, %arg17: memref<128xi32, #tpu.memory_space<vmem>>, %arg18: memref<!tpu.dma_semaphore, #tpu.memory_space<semaphore_mem>>, %arg19: memref<!tpu.dma_semaphore, #tpu.memory_space<semaphore_mem>>) attributes {dimension_semantics = [#tpu.dimension_semantics<core_parallel>, #tpu.dimension_semantics<subcore_parallel>], iteration_bounds = array<i64: 2, 16>, scalar_prefetch = 0 : i64, scratch_operands = 12 : i64, tpu.core_type = #tpu.core_type<sc_vector_subcore>, window_params = [{transform_indices = #map}, {transform_indices = #map1}, {transform_indices = #map}, {transform_indices = #map}, {transform_indices = #map}, {transform_indices = #map}]} {
    %mul3A = arith.constant 2 : i32
    %mul3A_0 = arith.muli %arg1, %mul3A : i32
    %add3A = arith.addi %mul3A_0, %arg0 : i32
    %lt3A = arith.constant 16 : i32
    %lt3A_1 = arith.cmpi slt, %add3A, %lt3A : i32
    %convert_element_type3A = arith.extui %lt3A_1 : i1 to i32
    %cond3A = arith.constant 0 : i32
    %cond3A_2 = arith.cmpi ne, %convert_element_type3A, %cond3A : i32
    scf.if %cond3A_2 {
      %dma_start3A = arith.constant 0 : i32
      %dma_start3A_3 = arith.constant 0 : i32
      %dma_start3A_4 = tpu.memref_slice %arg3[%add3A, %dma_start3A, %dma_start3A_3] : memref<16x256x128xf32, #tpu.memory_space<hbm>> -> memref<1x256x128xf32, #tpu.memory_space<hbm>>
      %dma_start3A_5 = tpu.memref_squeeze %dma_start3A_4 : memref<1x256x128xf32, #tpu.memory_space<hbm>> -> memref<256x128xf32, #tpu.memory_space<hbm>>
      %dma_start3A_6 = arith.constant 0 : i32
      %dma_start3A_7 = arith.constant 0 : i32
      %dma_start3A_8 = tpu.memref_slice %arg3[%add3A, %dma_start3A_6, %dma_start3A_7] : memref<16x256x128xf32, #tpu.memory_space<hbm>> -> memref<1x256x128xf32, #tpu.memory_space<hbm>>
      %dma_start3A_9 = tpu.memref_squeeze %dma_start3A_8 : memref<1x256x128xf32, #tpu.memory_space<hbm>> -> memref<256x128xf32, #tpu.memory_space<hbm>>
      tpu.enqueue_dma source(%dma_start3A_9 : memref<256x128xf32, #tpu.memory_space<hbm>>) target(%arg9 : memref<256x128xf32, #tpu.memory_space<vmem>>) target_semaphore(%arg18 : memref<!tpu.dma_semaphore, #tpu.memory_space<semaphore_mem>>)
      "tpu.region"() ({
        %run_scoped3A = tpu.sem_alloc : memref<!tpu.dma_semaphore, #tpu.memory_space<semaphore_mem>>
        %dma_start3A_72 = arith.constant 0 : i32
        %dma_start3A_73 = tpu.memref_slice %arg2[%add3A, %dma_start3A_72] : memref<16x65536xf32, #tpu.memory_space<hbm>> -> memref<1x65536xf32, #tpu.memory_space<hbm>>
        %dma_start3A_74 = tpu.memref_squeeze %dma_start3A_73 : memref<1x65536xf32, #tpu.memory_space<hbm>> -> memref<65536xf32, #tpu.memory_space<hbm>>
        %dma_start3A_75 = arith.constant 0 : i32
        %dma_start3A_76 = tpu.memref_slice %arg2[%add3A, %dma_start3A_75] : memref<16x65536xf32, #tpu.memory_space<hbm>> -> memref<1x65536xf32, #tpu.memory_space<hbm>>
        %dma_start3A_77 = tpu.memref_squeeze %dma_start3A_76 : memref<1x65536xf32, #tpu.memory_space<hbm>> -> memref<65536xf32, #tpu.memory_space<hbm>>
        tpu.enqueue_dma source(%dma_start3A_77 : memref<65536xf32, #tpu.memory_space<hbm>>) target(%arg8 : memref<65536xf32, #tpu.memory_space<vmem>>) target_semaphore(%run_scoped3A : memref<!tpu.dma_semaphore, #tpu.memory_space<semaphore_mem>>)
        %dma_wait3A_78 = arith.constant 0 : i32
        %dma_wait3A_79 = tpu.memref_slice %arg2[%add3A, %dma_wait3A_78] : memref<16x65536xf32, #tpu.memory_space<hbm>> -> memref<1x65536xf32, #tpu.memory_space<hbm>>
        %dma_wait3A_80 = tpu.memref_squeeze %dma_wait3A_79 : memref<1x65536xf32, #tpu.memory_space<hbm>> -> memref<65536xf32, #tpu.memory_space<hbm>>
        %dma_wait3A_81 = arith.constant 0 : i32
        %dma_wait3A_82 = tpu.memref_slice %arg2[%add3A, %dma_wait3A_81] : memref<16x65536xf32, #tpu.memory_space<hbm>> -> memref<1x65536xf32, #tpu.memory_space<hbm>>
        %dma_wait3A_83 = tpu.memref_squeeze %dma_wait3A_82 : memref<1x65536xf32, #tpu.memory_space<hbm>> -> memref<65536xf32, #tpu.memory_space<hbm>>
        tpu.wait_dma2 semaphore(%run_scoped3A : memref<!tpu.dma_semaphore, #tpu.memory_space<semaphore_mem>>) src(%dma_wait3A_83 : memref<65536xf32, #tpu.memory_space<hbm>>) dst(%arg8 : memref<65536xf32, #tpu.memory_space<vmem>>)
        tpu.yield
      }) : () -> ()
      "tpu.region"() ({
        %run_scoped3A = tpu.sem_alloc : memref<!tpu.dma_semaphore, #tpu.memory_space<semaphore_mem>>
        %dma_start3A_72 = arith.constant 0 : i32
        %dma_start3A_73 = tpu.memref_slice %arg4[%add3A, %dma_start3A_72] : memref<16x768xf32, #tpu.memory_space<hbm>> -> memref<1x768xf32, #tpu.memory_space<hbm>>
        %dma_start3A_74 = tpu.memref_squeeze %dma_start3A_73 : memref<1x768xf32, #tpu.memory_space<hbm>> -> memref<768xf32, #tpu.memory_space<hbm>>
        %dma_start3A_75 = arith.constant 0 : i32
        %dma_start3A_76 = tpu.memref_slice %arg4[%add3A, %dma_start3A_75] : memref<16x768xf32, #tpu.memory_space<hbm>> -> memref<1x768xf32, #tpu.memory_space<hbm>>
        %dma_start3A_77 = tpu.memref_squeeze %dma_start3A_76 : memref<1x768xf32, #tpu.memory_space<hbm>> -> memref<768xf32, #tpu.memory_space<hbm>>
        tpu.enqueue_dma source(%dma_start3A_77 : memref<768xf32, #tpu.memory_space<hbm>>) target(%arg10 : memref<768xf32, #tpu.memory_space<vmem>>) target_semaphore(%run_scoped3A : memref<!tpu.dma_semaphore, #tpu.memory_space<semaphore_mem>>)
        %dma_wait3A_78 = arith.constant 0 : i32
        %dma_wait3A_79 = tpu.memref_slice %arg4[%add3A, %dma_wait3A_78] : memref<16x768xf32, #tpu.memory_space<hbm>> -> memref<1x768xf32, #tpu.memory_space<hbm>>
        %dma_wait3A_80 = tpu.memref_squeeze %dma_wait3A_79 : memref<1x768xf32, #tpu.memory_space<hbm>> -> memref<768xf32, #tpu.memory_space<hbm>>
        %dma_wait3A_81 = arith.constant 0 : i32
        %dma_wait3A_82 = tpu.memref_slice %arg4[%add3A, %dma_wait3A_81] : memref<16x768xf32, #tpu.memory_space<hbm>> -> memref<1x768xf32, #tpu.memory_space<hbm>>
        %dma_wait3A_83 = tpu.memref_squeeze %dma_wait3A_82 : memref<1x768xf32, #tpu.memory_space<hbm>> -> memref<768xf32, #tpu.memory_space<hbm>>
        tpu.wait_dma2 semaphore(%run_scoped3A : memref<!tpu.dma_semaphore, #tpu.memory_space<semaphore_mem>>) src(%dma_wait3A_83 : memref<768xf32, #tpu.memory_space<hbm>>) dst(%arg10 : memref<768xf32, #tpu.memory_space<vmem>>)
        tpu.yield
      }) : () -> ()
      %iota3A = tpu.iota {dimensions = array<i32: 0>} : vector<16xi32>
      %scan3A = arith.constant 0 : i32
      %scan3A_10 = arith.constant 0 : i32
      %scan3A_11 = arith.constant 16 : i32
      %scan3A_12 = arith.addi %scan3A_10, %scan3A_11 : i32
      %scan3A_13 = arith.constant 1 : i32
      scf.for %scan3A_72 = %scan3A_10 to %scan3A_12 step %scan3A_13  : i32 {
        %broadcast_in_dim3A = arith.constant 0.000000e+00 : f32
        %broadcast_in_dim3A_73 = vector.broadcast %broadcast_in_dim3A : f32 to vector<16xf32>
        %mul3A_74 = arith.constant 16 : i32
        %mul3A_75 = arith.muli %scan3A_72, %mul3A_74 : i32
        %swap3A = arith.index_cast %mul3A_75 : i32 to index
        %swap3A_76 = tpu.vector_load %arg13[%swap3A] {strides = array<i32>} : memref<272xf32, #tpu.memory_space<vmem>>, vector<16xf32>,
        tpu.vector_store %arg13[%swap3A], %broadcast_in_dim3A_73 {strides = array<i32>} : memref<272xf32, #tpu.memory_space<vmem>>, vector<16xf32>,
      }
      %scan3A_14 = arith.constant 16 : i32
      %scan3A_15 = arith.constant 0 : i32
      %scan3A_16 = arith.constant 0 : i32
      %scan3A_17 = arith.constant 256 : i32
      %scan3A_18 = arith.addi %scan3A_16, %scan3A_17 : i32
      %scan3A_19 = arith.constant 1 : i32
      scf.for %scan3A_72 = %scan3A_16 to %scan3A_18 step %scan3A_19  : i32 {
        %mul3A_73 = arith.constant 256 : i32
        %mul3A_74 = arith.muli %scan3A_72, %mul3A_73 : i32
        %get3A = arith.index_cast %mul3A_74 : i32 to index
        %get3A_75 = tpu.vector_load %arg8[%get3A] {strides = array<i32>} : memref<65536xf32, #tpu.memory_space<vmem>>, vector<16xf32>,
        %mul3A_76 = arith.constant 256 : i32
        %mul3A_77 = arith.muli %scan3A_72, %mul3A_76 : i32
        %add3A_78 = arith.constant 16 : i32
        %add3A_79 = arith.addi %mul3A_77, %add3A_78 : i32
        %get3A_80 = arith.index_cast %add3A_79 : i32 to index
        %get3A_81 = tpu.vector_load %arg8[%get3A_80] {strides = array<i32>} : memref<65536xf32, #tpu.memory_space<vmem>>, vector<16xf32>,
        %max3A = arith.maximumf %get3A_75, %get3A_81 : vector<16xf32>
        %mul3A_82 = arith.constant 256 : i32
        %mul3A_83 = arith.muli %scan3A_72, %mul3A_82 : i32
        %add3A_84 = arith.constant 32 : i32
        %add3A_85 = arith.addi %mul3A_83, %add3A_84 : i32
        %get3A_86 = arith.index_cast %add3A_85 : i32 to index
        %get3A_87 = tpu.vector_load %arg8[%get3A_86] {strides = array<i32>} : memref<65536xf32, #tpu.memory_space<vmem>>, vector<16xf32>,
        %max3A_88 = arith.maximumf %max3A, %get3A_87 : vector<16xf32>
        %mul3A_89 = arith.constant 256 : i32
        %mul3A_90 = arith.muli %scan3A_72, %mul3A_89 : i32
        %add3A_91 = arith.constant 48 : i32
        %add3A_92 = arith.addi %mul3A_90, %add3A_91 : i32
        %get3A_93 = arith.index_cast %add3A_92 : i32 to index
        %get3A_94 = tpu.vector_load %arg8[%get3A_93] {strides = array<i32>} : memref<65536xf32, #tpu.memory_space<vmem>>, vector<16xf32>,
        %max3A_95 = arith.maximumf %max3A_88, %get3A_94 : vector<16xf32>
        %mul3A_96 = arith.constant 256 : i32
        %mul3A_97 = arith.muli %scan3A_72, %mul3A_96 : i32
        %add3A_98 = arith.constant 64 : i32
        %add3A_99 = arith.addi %mul3A_97, %add3A_98 : i32
        %get3A_100 = arith.index_cast %add3A_99 : i32 to index
        %get3A_101 = tpu.vector_load %arg8[%get3A_100] {strides = array<i32>} : memref<65536xf32, #tpu.memory_space<vmem>>, vector<16xf32>,
        %max3A_102 = arith.maximumf %max3A_95, %get3A_101 : vector<16xf32>
        %mul3A_103 = arith.constant 256 : i32
        %mul3A_104 = arith.muli %scan3A_72, %mul3A_103 : i32
        %add3A_105 = arith.constant 80 : i32
        %add3A_106 = arith.addi %mul3A_104, %add3A_105 : i32
        %get3A_107 = arith.index_cast %add3A_106 : i32 to index
        %get3A_108 = tpu.vector_load %arg8[%get3A_107] {strides = array<i32>} : memref<65536xf32, #tpu.memory_space<vmem>>, vector<16xf32>,
        %max3A_109 = arith.maximumf %max3A_102, %get3A_108 : vector<16xf32>
        %mul3A_110 = arith.constant 256 : i32
        %mul3A_111 = arith.muli %scan3A_72, %mul3A_110 : i32
        %add3A_112 = arith.constant 96 : i32
        %add3A_113 = arith.addi %mul3A_111, %add3A_112 : i32
        %get3A_114 = arith.index_cast %add3A_113 : i32 to index
        %get3A_115 = tpu.vector_load %arg8[%get3A_114] {strides = array<i32>} : memref<65536xf32, #tpu.memory_space<vmem>>, vector<16xf32>,
        %max3A_116 = arith.maximumf %max3A_109, %get3A_115 : vector<16xf32>
        %mul3A_117 = arith.constant 256 : i32
        %mul3A_118 = arith.muli %scan3A_72, %mul3A_117 : i32
        %add3A_119 = arith.constant 112 : i32
        %add3A_120 = arith.addi %mul3A_118, %add3A_119 : i32
        %get3A_121 = arith.index_cast %add3A_120 : i32 to index
        %get3A_122 = tpu.vector_load %arg8[%get3A_121] {strides = array<i32>} : memref<65536xf32, #tpu.memory_space<vmem>>, vector<16xf32>,
        %max3A_123 = arith.maximumf %max3A_116, %get3A_122 : vector<16xf32>
        %mul3A_124 = arith.constant 256 : i32
        %mul3A_125 = arith.muli %scan3A_72, %mul3A_124 : i32
        %add3A_126 = arith.constant 128 : i32
        %add3A_127 = arith.addi %mul3A_125, %add3A_126 : i32
        %get3A_128 = arith.index_cast %add3A_127 : i32 to index
        %get3A_129 = tpu.vector_load %arg8[%get3A_128] {strides = array<i32>} : memref<65536xf32, #tpu.memory_space<vmem>>, vector<16xf32>,
        %max3A_130 = arith.maximumf %max3A_123, %get3A_129 : vector<16xf32>
        %mul3A_131 = arith.constant 256 : i32
        %mul3A_132 = arith.muli %scan3A_72, %mul3A_131 : i32
        %add3A_133 = arith.constant 144 : i32
        %add3A_134 = arith.addi %mul3A_132, %add3A_133 : i32
        %get3A_135 = arith.index_cast %add3A_134 : i32 to index
        %get3A_136 = tpu.vector_load %arg8[%get3A_135] {strides = array<i32>} : memref<65536xf32, #tpu.memory_space<vmem>>, vector<16xf32>,
        %max3A_137 = arith.maximumf %max3A_130, %get3A_136 : vector<16xf32>
        %mul3A_138 = arith.constant 256 : i32
        %mul3A_139 = arith.muli %scan3A_72, %mul3A_138 : i32
        %add3A_140 = arith.constant 160 : i32
        %add3A_141 = arith.addi %mul3A_139, %add3A_140 : i32
        %get3A_142 = arith.index_cast %add3A_141 : i32 to index
        %get3A_143 = tpu.vector_load %arg8[%get3A_142] {strides = array<i32>} : memref<65536xf32, #tpu.memory_space<vmem>>, vector<16xf32>,
        %max3A_144 = arith.maximumf %max3A_137, %get3A_143 : vector<16xf32>
        %mul3A_145 = arith.constant 256 : i32
        %mul3A_146 = arith.muli %scan3A_72, %mul3A_145 : i32
        %add3A_147 = arith.constant 176 : i32
        %add3A_148 = arith.addi %mul3A_146, %add3A_147 : i32
        %get3A_149 = arith.index_cast %add3A_148 : i32 to index
        %get3A_150 = tpu.vector_load %arg8[%get3A_149] {strides = array<i32>} : memref<65536xf32, #tpu.memory_space<vmem>>, vector<16xf32>,
        %max3A_151 = arith.maximumf %max3A_144, %get3A_150 : vector<16xf32>
        %mul3A_152 = arith.constant 256 : i32
        %mul3A_153 = arith.muli %scan3A_72, %mul3A_152 : i32
        %add3A_154 = arith.constant 192 : i32
        %add3A_155 = arith.addi %mul3A_153, %add3A_154 : i32
        %get3A_156 = arith.index_cast %add3A_155 : i32 to index
        %get3A_157 = tpu.vector_load %arg8[%get3A_156] {strides = array<i32>} : memref<65536xf32, #tpu.memory_space<vmem>>, vector<16xf32>,
        %max3A_158 = arith.maximumf %max3A_151, %get3A_157 : vector<16xf32>
        %mul3A_159 = arith.constant 256 : i32
        %mul3A_160 = arith.muli %scan3A_72, %mul3A_159 : i32
        %add3A_161 = arith.constant 208 : i32
        %add3A_162 = arith.addi %mul3A_160, %add3A_161 : i32
        %get3A_163 = arith.index_cast %add3A_162 : i32 to index
        %get3A_164 = tpu.vector_load %arg8[%get3A_163] {strides = array<i32>} : memref<65536xf32, #tpu.memory_space<vmem>>, vector<16xf32>,
        %max3A_165 = arith.maximumf %max3A_158, %get3A_164 : vector<16xf32>
        %mul3A_166 = arith.constant 256 : i32
        %mul3A_167 = arith.muli %scan3A_72, %mul3A_166 : i32
        %add3A_168 = arith.constant 224 : i32
        %add3A_169 = arith.addi %mul3A_167, %add3A_168 : i32
        %get3A_170 = arith.index_cast %add3A_169 : i32 to index
        %get3A_171 = tpu.vector_load %arg8[%get3A_170] {strides = array<i32>} : memref<65536xf32, #tpu.memory_space<vmem>>, vector<16xf32>,
        %max3A_172 = arith.maximumf %max3A_165, %get3A_171 : vector<16xf32>
        %mul3A_173 = arith.constant 256 : i32
        %mul3A_174 = arith.muli %scan3A_72, %mul3A_173 : i32
        %add3A_175 = arith.constant 240 : i32
        %add3A_176 = arith.addi %mul3A_174, %add3A_175 : i32
        %get3A_177 = arith.index_cast %add3A_176 : i32 to index
        %get3A_178 = tpu.vector_load %arg8[%get3A_177] {strides = array<i32>} : memref<65536xf32, #tpu.memory_space<vmem>>, vector<16xf32>,
        %max3A_179 = arith.maximumf %max3A_172, %get3A_178 : vector<16xf32>
        %reduce_max3A = arith.constant true
        %reduce_max3A_180 = vector.broadcast %reduce_max3A : i1 to vector<16xi1>
        %reduce_max3A_181 = tpu.scan <max>, %max3A_179 masked %reduce_max3A_180 : vector<16xf32>, vector<16xi1> -> vector<16xf32>
        %reduce_max3A_182 = vector.extract %reduce_max3A_181[15] : f32 from vector<16xf32>
        %iota3A_183 = tpu.iota {dimensions = array<i32: 0>} : vector<16xi32>
        %broadcast_in_dim3A = vector.broadcast %scan3A_72 : i32 to vector<16xi32>
        %broadcast_in_dim3A_184 = vector.broadcast %reduce_max3A_182 : f32 to vector<16xf32>
        %eq3A = arith.constant 0 : i32
        %eq3A_185 = vector.broadcast %eq3A : i32 to vector<16xi32>
        %eq3A_186 = arith.cmpi eq, %iota3A_183, %eq3A_185 : vector<16xi32>
        tpu.vector_store_idx %arg12[%broadcast_in_dim3A], %broadcast_in_dim3A_184 masked %eq3A_186 : memref<256xf32, #tpu.memory_space<vmem>>[vector<16xi32>], vector<16xf32>, vector<16xi1>
      }
      %scan3A_20 = arith.constant 256 : i32
      %scan3A_21 = arith.constant 0 : i32
      %scan3A_22 = arith.constant 0 : i32
      %scan3A_23 = arith.constant 16 : i32
      %scan3A_24 = arith.addi %scan3A_22, %scan3A_23 : i32
      %scan3A_25 = arith.constant 1 : i32
      scf.for %scan3A_72 = %scan3A_22 to %scan3A_24 step %scan3A_25  : i32 {
        %mul3A_73 = arith.constant 16 : i32
        %mul3A_74 = arith.muli %scan3A_72, %mul3A_73 : i32
        %get3A = arith.index_cast %mul3A_74 : i32 to index
        %get3A_75 = tpu.vector_load %arg12[%get3A] {strides = array<i32>} : memref<256xf32, #tpu.memory_space<vmem>>, vector<16xf32>,
        %reduce_max3A = arith.constant true
        %reduce_max3A_76 = vector.broadcast %reduce_max3A : i1 to vector<16xi1>
        %reduce_max3A_77 = tpu.scan <max>, %get3A_75 masked %reduce_max3A_76 : vector<16xf32>, vector<16xi1> -> vector<16xf32>
        %reduce_max3A_78 = vector.extract %reduce_max3A_77[15] : f32 from vector<16xf32>
        %iota3A_79 = tpu.iota {dimensions = array<i32: 0>} : vector<16xi32>
        %broadcast_in_dim3A = vector.broadcast %scan3A_72 : i32 to vector<16xi32>
        %broadcast_in_dim3A_80 = vector.broadcast %reduce_max3A_78 : f32 to vector<16xf32>
        %eq3A = arith.constant 0 : i32
        %eq3A_81 = vector.broadcast %eq3A : i32 to vector<16xi32>
        %eq3A_82 = arith.cmpi eq, %iota3A_79, %eq3A_81 : vector<16xi32>
        tpu.vector_store_idx %arg14[%broadcast_in_dim3A], %broadcast_in_dim3A_80 masked %eq3A_82 : memref<16xf32, #tpu.memory_space<vmem>>[vector<16xi32>], vector<16xf32>, vector<16xi1>
      }
      %scan3A_26 = arith.constant 16 : i32
      %while3A = arith.constant 0 : i32
      %while3A_27 = arith.constant 0 : i32
      %while3A_28:2 = scf.while (%while3A_72 = %while3A, %while3A_73 = %while3A_27) : (i32, i32) -> (i32, i32) {
        %lt3A_74 = arith.constant 256 : i32
        %lt3A_75 = arith.cmpi slt, %while3A_72, %lt3A_74 : i32
        %lt3A_76 = arith.constant 65792 : i32
        %lt3A_77 = arith.cmpi slt, %while3A_73, %lt3A_76 : i32
        %and3A = arith.andi %lt3A_75, %lt3A_77 : i1
        scf.condition(%and3A) %while3A_72, %while3A_73 : i32, i32
      } do {
      ^bb0(%while3A_72: i32, %while3A_73: i32):
        %get3A = arith.constant 0 : index
        %get3A_74 = tpu.vector_load %arg14[%get3A] {strides = array<i32>} : memref<16xf32, #tpu.memory_space<vmem>>, vector<16xf32>,
        %reduce_max3A = arith.constant true
        %reduce_max3A_75 = vector.broadcast %reduce_max3A : i1 to vector<16xi1>
        %reduce_max3A_76 = tpu.scan <max>, %get3A_74 masked %reduce_max3A_75 : vector<16xf32>, vector<16xi1> -> vector<16xf32>
        %reduce_max3A_77 = vector.extract %reduce_max3A_76[15] : f32 from vector<16xf32>
        %eq3A = vector.broadcast %reduce_max3A_77 : f32 to vector<16xf32>
        %eq3A_78 = arith.cmpf oeq, %get3A_74, %eq3A : vector<16xf32>
        %all_reduce_ffs3A = tpu.all_reduce %eq3A_78 {dim = 0 : i64, kind = #tpu.reduction_kind<find_first_set>} : vector<16xi1> -> vector<16xi32>
        %slice3A = vector.extract_strided_slice %all_reduce_ffs3A {offsets = [0], sizes = [1], strides = [1]} : vector<16xi32> to vector<1xi32>
        %squeeze3A = vector.extract %slice3A[0] : i32 from vector<1xi32>
        %mul3A_79 = arith.constant 16 : i32
        %mul3A_80 = arith.muli %squeeze3A, %mul3A_79 : i32
        %get3A_81 = arith.index_cast %mul3A_80 : i32 to index
        %get3A_82 = tpu.vector_load %arg12[%get3A_81] {strides = array<i32>} : memref<256xf32, #tpu.memory_space<vmem>>, vector<16xf32>,
        %eq3A_83 = vector.broadcast %reduce_max3A_77 : f32 to vector<16xf32>
        %eq3A_84 = arith.cmpf oeq, %get3A_82, %eq3A_83 : vector<16xf32>
        %all_reduce_ffs3A_85 = tpu.all_reduce %eq3A_84 {dim = 0 : i64, kind = #tpu.reduction_kind<find_first_set>} : vector<16xi1> -> vector<16xi32>
        %slice3A_86 = vector.extract_strided_slice %all_reduce_ffs3A_85 {offsets = [0], sizes = [1], strides = [1]} : vector<16xi32> to vector<1xi32>
        %squeeze3A_87 = vector.extract %slice3A_86[0] : i32 from vector<1xi32>
        %mul3A_88 = arith.constant 16 : i32
        %mul3A_89 = arith.muli %squeeze3A, %mul3A_88 : i32
        %add3A_90 = arith.addi %mul3A_89, %squeeze3A_87 : i32
        %mul3A_91 = arith.constant 256 : i32
        %mul3A_92 = arith.muli %add3A_90, %mul3A_91 : i32
        %get3A_93 = arith.index_cast %mul3A_92 : i32 to index
        %get3A_94 = tpu.vector_load %arg8[%get3A_93] {strides = array<i32>} : memref<65536xf32, #tpu.memory_space<vmem>>, vector<16xf32>,
        %get3A_95 = arith.constant 0 : index
        %get3A_96 = tpu.vector_load %arg13[%get3A_95] {strides = array<i32>} : memref<272xf32, #tpu.memory_space<vmem>>, vector<16xf32>,
        %add3A_97 = arith.addf %get3A_94, %get3A_96 : vector<16xf32>
        %add3A_98 = arith.constant 16 : i32
        %add3A_99 = arith.addi %mul3A_92, %add3A_98 : i32
        %get3A_100 = arith.index_cast %add3A_99 : i32 to index
        %get3A_101 = tpu.vector_load %arg8[%get3A_100] {strides = array<i32>} : memref<65536xf32, #tpu.memory_space<vmem>>, vector<16xf32>,
        %get3A_102 = arith.constant 16 : index
        %get3A_103 = tpu.vector_load %arg13[%get3A_102] {strides = array<i32>} : memref<272xf32, #tpu.memory_space<vmem>>, vector<16xf32>,
        %add3A_104 = arith.addf %get3A_101, %get3A_103 : vector<16xf32>
        %gt3A = arith.cmpf ogt, %add3A_104, %add3A_97 : vector<16xf32>
        %select_n3A = arith.select %gt3A, %add3A_104, %add3A_97 : vector<16xi1>, vector<16xf32>
        %add3A_105 = arith.constant 16 : i32
        %add3A_106 = vector.broadcast %add3A_105 : i32 to vector<16xi32>
        %add3A_107 = arith.addi %iota3A, %add3A_106 : vector<16xi32>
        %select_n3A_108 = arith.select %gt3A, %add3A_107, %iota3A : vector<16xi1>, vector<16xi32>
        %add3A_109 = arith.constant 32 : i32
        %add3A_110 = arith.addi %mul3A_92, %add3A_109 : i32
        %get3A_111 = arith.index_cast %add3A_110 : i32 to index
        %get3A_112 = tpu.vector_load %arg8[%get3A_111] {strides = array<i32>} : memref<65536xf32, #tpu.memory_space<vmem>>, vector<16xf32>,
        %get3A_113 = arith.constant 32 : index
        %get3A_114 = tpu.vector_load %arg13[%get3A_113] {strides = array<i32>} : memref<272xf32, #tpu.memory_space<vmem>>, vector<16xf32>,
        %add3A_115 = arith.addf %get3A_112, %get3A_114 : vector<16xf32>
        %gt3A_116 = arith.cmpf ogt, %add3A_115, %select_n3A : vector<16xf32>
        %select_n3A_117 = arith.select %gt3A_116, %add3A_115, %select_n3A : vector<16xi1>, vector<16xf32>
        %add3A_118 = arith.constant 32 : i32
        %add3A_119 = vector.broadcast %add3A_118 : i32 to vector<16xi32>
        %add3A_120 = arith.addi %iota3A, %add3A_119 : vector<16xi32>
        %select_n3A_121 = arith.select %gt3A_116, %add3A_120, %select_n3A_108 : vector<16xi1>, vector<16xi32>
        %add3A_122 = arith.constant 48 : i32
        %add3A_123 = arith.addi %mul3A_92, %add3A_122 : i32
        %get3A_124 = arith.index_cast %add3A_123 : i32 to index
        %get3A_125 = tpu.vector_load %arg8[%get3A_124] {strides = array<i32>} : memref<65536xf32, #tpu.memory_space<vmem>>, vector<16xf32>,
        %get3A_126 = arith.constant 48 : index
        %get3A_127 = tpu.vector_load %arg13[%get3A_126] {strides = array<i32>} : memref<272xf32, #tpu.memory_space<vmem>>, vector<16xf32>,
        %add3A_128 = arith.addf %get3A_125, %get3A_127 : vector<16xf32>
        %gt3A_129 = arith.cmpf ogt, %add3A_128, %select_n3A_117 : vector<16xf32>
        %select_n3A_130 = arith.select %gt3A_129, %add3A_128, %select_n3A_117 : vector<16xi1>, vector<16xf32>
        %add3A_131 = arith.constant 48 : i32
        %add3A_132 = vector.broadcast %add3A_131 : i32 to vector<16xi32>
        %add3A_133 = arith.addi %iota3A, %add3A_132 : vector<16xi32>
        %select_n3A_134 = arith.select %gt3A_129, %add3A_133, %select_n3A_121 : vector<16xi1>, vector<16xi32>
        %add3A_135 = arith.constant 64 : i32
        %add3A_136 = arith.addi %mul3A_92, %add3A_135 : i32
        %get3A_137 = arith.index_cast %add3A_136 : i32 to index
        %get3A_138 = tpu.vector_load %arg8[%get3A_137] {strides = array<i32>} : memref<65536xf32, #tpu.memory_space<vmem>>, vector<16xf32>,
        %get3A_139 = arith.constant 64 : index
        %get3A_140 = tpu.vector_load %arg13[%get3A_139] {strides = array<i32>} : memref<272xf32, #tpu.memory_space<vmem>>, vector<16xf32>,
        %add3A_141 = arith.addf %get3A_138, %get3A_140 : vector<16xf32>
        %gt3A_142 = arith.cmpf ogt, %add3A_141, %select_n3A_130 : vector<16xf32>
        %select_n3A_143 = arith.select %gt3A_142, %add3A_141, %select_n3A_130 : vector<16xi1>, vector<16xf32>
        %add3A_144 = arith.constant 64 : i32
        %add3A_145 = vector.broadcast %add3A_144 : i32 to vector<16xi32>
        %add3A_146 = arith.addi %iota3A, %add3A_145 : vector<16xi32>
        %select_n3A_147 = arith.select %gt3A_142, %add3A_146, %select_n3A_134 : vector<16xi1>, vector<16xi32>
        %add3A_148 = arith.constant 80 : i32
        %add3A_149 = arith.addi %mul3A_92, %add3A_148 : i32
        %get3A_150 = arith.index_cast %add3A_149 : i32 to index
        %get3A_151 = tpu.vector_load %arg8[%get3A_150] {strides = array<i32>} : memref<65536xf32, #tpu.memory_space<vmem>>, vector<16xf32>,
        %get3A_152 = arith.constant 80 : index
        %get3A_153 = tpu.vector_load %arg13[%get3A_152] {strides = array<i32>} : memref<272xf32, #tpu.memory_space<vmem>>, vector<16xf32>,
        %add3A_154 = arith.addf %get3A_151, %get3A_153 : vector<16xf32>
        %gt3A_155 = arith.cmpf ogt, %add3A_154, %select_n3A_143 : vector<16xf32>
        %select_n3A_156 = arith.select %gt3A_155, %add3A_154, %select_n3A_143 : vector<16xi1>, vector<16xf32>
        %add3A_157 = arith.constant 80 : i32
        %add3A_158 = vector.broadcast %add3A_157 : i32 to vector<16xi32>
        %add3A_159 = arith.addi %iota3A, %add3A_158 : vector<16xi32>
        %select_n3A_160 = arith.select %gt3A_155, %add3A_159, %select_n3A_147 : vector<16xi1>, vector<16xi32>
        %add3A_161 = arith.constant 96 : i32
        %add3A_162 = arith.addi %mul3A_92, %add3A_161 : i32
        %get3A_163 = arith.index_cast %add3A_162 : i32 to index
        %get3A_164 = tpu.vector_load %arg8[%get3A_163] {strides = array<i32>} : memref<65536xf32, #tpu.memory_space<vmem>>, vector<16xf32>,
        %get3A_165 = arith.constant 96 : index
        %get3A_166 = tpu.vector_load %arg13[%get3A_165] {strides = array<i32>} : memref<272xf32, #tpu.memory_space<vmem>>, vector<16xf32>,
        %add3A_167 = arith.addf %get3A_164, %get3A_166 : vector<16xf32>
        %gt3A_168 = arith.cmpf ogt, %add3A_167, %select_n3A_156 : vector<16xf32>
        %select_n3A_169 = arith.select %gt3A_168, %add3A_167, %select_n3A_156 : vector<16xi1>, vector<16xf32>
        %add3A_170 = arith.constant 96 : i32
        %add3A_171 = vector.broadcast %add3A_170 : i32 to vector<16xi32>
        %add3A_172 = arith.addi %iota3A, %add3A_171 : vector<16xi32>
        %select_n3A_173 = arith.select %gt3A_168, %add3A_172, %select_n3A_160 : vector<16xi1>, vector<16xi32>
        %add3A_174 = arith.constant 112 : i32
        %add3A_175 = arith.addi %mul3A_92, %add3A_174 : i32
        %get3A_176 = arith.index_cast %add3A_175 : i32 to index
        %get3A_177 = tpu.vector_load %arg8[%get3A_176] {strides = array<i32>} : memref<65536xf32, #tpu.memory_space<vmem>>, vector<16xf32>,
        %get3A_178 = arith.constant 112 : index
        %get3A_179 = tpu.vector_load %arg13[%get3A_178] {strides = array<i32>} : memref<272xf32, #tpu.memory_space<vmem>>, vector<16xf32>,
        %add3A_180 = arith.addf %get3A_177, %get3A_179 : vector<16xf32>
        %gt3A_181 = arith.cmpf ogt, %add3A_180, %select_n3A_169 : vector<16xf32>
        %select_n3A_182 = arith.select %gt3A_181, %add3A_180, %select_n3A_169 : vector<16xi1>, vector<16xf32>
        %add3A_183 = arith.constant 112 : i32
        %add3A_184 = vector.broadcast %add3A_183 : i32 to vector<16xi32>
        %add3A_185 = arith.addi %iota3A, %add3A_184 : vector<16xi32>
        %select_n3A_186 = arith.select %gt3A_181, %add3A_185, %select_n3A_173 : vector<16xi1>, vector<16xi32>
        %add3A_187 = arith.constant 128 : i32
        %add3A_188 = arith.addi %mul3A_92, %add3A_187 : i32
        %get3A_189 = arith.index_cast %add3A_188 : i32 to index
        %get3A_190 = tpu.vector_load %arg8[%get3A_189] {strides = array<i32>} : memref<65536xf32, #tpu.memory_space<vmem>>, vector<16xf32>,
        %get3A_191 = arith.constant 128 : index
        %get3A_192 = tpu.vector_load %arg13[%get3A_191] {strides = array<i32>} : memref<272xf32, #tpu.memory_space<vmem>>, vector<16xf32>,
        %add3A_193 = arith.addf %get3A_190, %get3A_192 : vector<16xf32>
        %gt3A_194 = arith.cmpf ogt, %add3A_193, %select_n3A_182 : vector<16xf32>
        %select_n3A_195 = arith.select %gt3A_194, %add3A_193, %select_n3A_182 : vector<16xi1>, vector<16xf32>
        %add3A_196 = arith.constant 128 : i32
        %add3A_197 = vector.broadcast %add3A_196 : i32 to vector<16xi32>
        %add3A_198 = arith.addi %iota3A, %add3A_197 : vector<16xi32>
        %select_n3A_199 = arith.select %gt3A_194, %add3A_198, %select_n3A_186 : vector<16xi1>, vector<16xi32>
        %add3A_200 = arith.constant 144 : i32
        %add3A_201 = arith.addi %mul3A_92, %add3A_200 : i32
        %get3A_202 = arith.index_cast %add3A_201 : i32 to index
        %get3A_203 = tpu.vector_load %arg8[%get3A_202] {strides = array<i32>} : memref<65536xf32, #tpu.memory_space<vmem>>, vector<16xf32>,
        %get3A_204 = arith.constant 144 : index
        %get3A_205 = tpu.vector_load %arg13[%get3A_204] {strides = array<i32>} : memref<272xf32, #tpu.memory_space<vmem>>, vector<16xf32>,
        %add3A_206 = arith.addf %get3A_203, %get3A_205 : vector<16xf32>
        %gt3A_207 = arith.cmpf ogt, %add3A_206, %select_n3A_195 : vector<16xf32>
        %select_n3A_208 = arith.select %gt3A_207, %add3A_206, %select_n3A_195 : vector<16xi1>, vector<16xf32>
        %add3A_209 = arith.constant 144 : i32
        %add3A_210 = vector.broadcast %add3A_209 : i32 to vector<16xi32>
        %add3A_211 = arith.addi %iota3A, %add3A_210 : vector<16xi32>
        %select_n3A_212 = arith.select %gt3A_207, %add3A_211, %select_n3A_199 : vector<16xi1>, vector<16xi32>
        %add3A_213 = arith.constant 160 : i32
        %add3A_214 = arith.addi %mul3A_92, %add3A_213 : i32
        %get3A_215 = arith.index_cast %add3A_214 : i32 to index
        %get3A_216 = tpu.vector_load %arg8[%get3A_215] {strides = array<i32>} : memref<65536xf32, #tpu.memory_space<vmem>>, vector<16xf32>,
        %get3A_217 = arith.constant 160 : index
        %get3A_218 = tpu.vector_load %arg13[%get3A_217] {strides = array<i32>} : memref<272xf32, #tpu.memory_space<vmem>>, vector<16xf32>,
        %add3A_219 = arith.addf %get3A_216, %get3A_218 : vector<16xf32>
        %gt3A_220 = arith.cmpf ogt, %add3A_219, %select_n3A_208 : vector<16xf32>
        %select_n3A_221 = arith.select %gt3A_220, %add3A_219, %select_n3A_208 : vector<16xi1>, vector<16xf32>
        %add3A_222 = arith.constant 160 : i32
        %add3A_223 = vector.broadcast %add3A_222 : i32 to vector<16xi32>
        %add3A_224 = arith.addi %iota3A, %add3A_223 : vector<16xi32>
        %select_n3A_225 = arith.select %gt3A_220, %add3A_224, %select_n3A_212 : vector<16xi1>, vector<16xi32>
        %add3A_226 = arith.constant 176 : i32
        %add3A_227 = arith.addi %mul3A_92, %add3A_226 : i32
        %get3A_228 = arith.index_cast %add3A_227 : i32 to index
        %get3A_229 = tpu.vector_load %arg8[%get3A_228] {strides = array<i32>} : memref<65536xf32, #tpu.memory_space<vmem>>, vector<16xf32>,
        %get3A_230 = arith.constant 176 : index
        %get3A_231 = tpu.vector_load %arg13[%get3A_230] {strides = array<i32>} : memref<272xf32, #tpu.memory_space<vmem>>, vector<16xf32>,
        %add3A_232 = arith.addf %get3A_229, %get3A_231 : vector<16xf32>
        %gt3A_233 = arith.cmpf ogt, %add3A_232, %select_n3A_221 : vector<16xf32>
        %select_n3A_234 = arith.select %gt3A_233, %add3A_232, %select_n3A_221 : vector<16xi1>, vector<16xf32>
        %add3A_235 = arith.constant 176 : i32
        %add3A_236 = vector.broadcast %add3A_235 : i32 to vector<16xi32>
        %add3A_237 = arith.addi %iota3A, %add3A_236 : vector<16xi32>
        %select_n3A_238 = arith.select %gt3A_233, %add3A_237, %select_n3A_225 : vector<16xi1>, vector<16xi32>
        %add3A_239 = arith.constant 192 : i32
        %add3A_240 = arith.addi %mul3A_92, %add3A_239 : i32
        %get3A_241 = arith.index_cast %add3A_240 : i32 to index
        %get3A_242 = tpu.vector_load %arg8[%get3A_241] {strides = array<i32>} : memref<65536xf32, #tpu.memory_space<vmem>>, vector<16xf32>,
        %get3A_243 = arith.constant 192 : index
        %get3A_244 = tpu.vector_load %arg13[%get3A_243] {strides = array<i32>} : memref<272xf32, #tpu.memory_space<vmem>>, vector<16xf32>,
        %add3A_245 = arith.addf %get3A_242, %get3A_244 : vector<16xf32>
        %gt3A_246 = arith.cmpf ogt, %add3A_245, %select_n3A_234 : vector<16xf32>
        %select_n3A_247 = arith.select %gt3A_246, %add3A_245, %select_n3A_234 : vector<16xi1>, vector<16xf32>
        %add3A_248 = arith.constant 192 : i32
        %add3A_249 = vector.broadcast %add3A_248 : i32 to vector<16xi32>
        %add3A_250 = arith.addi %iota3A, %add3A_249 : vector<16xi32>
        %select_n3A_251 = arith.select %gt3A_246, %add3A_250, %select_n3A_238 : vector<16xi1>, vector<16xi32>
        %add3A_252 = arith.constant 208 : i32
        %add3A_253 = arith.addi %mul3A_92, %add3A_252 : i32
        %get3A_254 = arith.index_cast %add3A_253 : i32 to index
        %get3A_255 = tpu.vector_load %arg8[%get3A_254] {strides = array<i32>} : memref<65536xf32, #tpu.memory_space<vmem>>, vector<16xf32>,
        %get3A_256 = arith.constant 208 : index
        %get3A_257 = tpu.vector_load %arg13[%get3A_256] {strides = array<i32>} : memref<272xf32, #tpu.memory_space<vmem>>, vector<16xf32>,
        %add3A_258 = arith.addf %get3A_255, %get3A_257 : vector<16xf32>
        %gt3A_259 = arith.cmpf ogt, %add3A_258, %select_n3A_247 : vector<16xf32>
        %select_n3A_260 = arith.select %gt3A_259, %add3A_258, %select_n3A_247 : vector<16xi1>, vector<16xf32>
        %add3A_261 = arith.constant 208 : i32
        %add3A_262 = vector.broadcast %add3A_261 : i32 to vector<16xi32>
        %add3A_263 = arith.addi %iota3A, %add3A_262 : vector<16xi32>
        %select_n3A_264 = arith.select %gt3A_259, %add3A_263, %select_n3A_251 : vector<16xi1>, vector<16xi32>
        %add3A_265 = arith.constant 224 : i32
        %add3A_266 = arith.addi %mul3A_92, %add3A_265 : i32
        %get3A_267 = arith.index_cast %add3A_266 : i32 to index
        %get3A_268 = tpu.vector_load %arg8[%get3A_267] {strides = array<i32>} : memref<65536xf32, #tpu.memory_space<vmem>>, vector<16xf32>,
        %get3A_269 = arith.constant 224 : index
        %get3A_270 = tpu.vector_load %arg13[%get3A_269] {strides = array<i32>} : memref<272xf32, #tpu.memory_space<vmem>>, vector<16xf32>,
        %add3A_271 = arith.addf %get3A_268, %get3A_270 : vector<16xf32>
        %gt3A_272 = arith.cmpf ogt, %add3A_271, %select_n3A_260 : vector<16xf32>
        %select_n3A_273 = arith.select %gt3A_272, %add3A_271, %select_n3A_260 : vector<16xi1>, vector<16xf32>
        %add3A_274 = arith.constant 224 : i32
        %add3A_275 = vector.broadcast %add3A_274 : i32 to vector<16xi32>
        %add3A_276 = arith.addi %iota3A, %add3A_275 : vector<16xi32>
        %select_n3A_277 = arith.select %gt3A_272, %add3A_276, %select_n3A_264 : vector<16xi1>, vector<16xi32>
        %add3A_278 = arith.constant 240 : i32
        %add3A_279 = arith.addi %mul3A_92, %add3A_278 : i32
        %get3A_280 = arith.index_cast %add3A_279 : i32 to index
        %get3A_281 = tpu.vector_load %arg8[%get3A_280] {strides = array<i32>} : memref<65536xf32, #tpu.memory_space<vmem>>, vector<16xf32>,
        %get3A_282 = arith.constant 240 : index
        %get3A_283 = tpu.vector_load %arg13[%get3A_282] {strides = array<i32>} : memref<272xf32, #tpu.memory_space<vmem>>, vector<16xf32>,
        %add3A_284 = arith.addf %get3A_281, %get3A_283 : vector<16xf32>
        %gt3A_285 = arith.cmpf ogt, %add3A_284, %select_n3A_273 : vector<16xf32>
        %select_n3A_286 = arith.select %gt3A_285, %add3A_284, %select_n3A_273 : vector<16xi1>, vector<16xf32>
        %add3A_287 = arith.constant 240 : i32
        %add3A_288 = vector.broadcast %add3A_287 : i32 to vector<16xi32>
        %add3A_289 = arith.addi %iota3A, %add3A_288 : vector<16xi32>
        %select_n3A_290 = arith.select %gt3A_285, %add3A_289, %select_n3A_277 : vector<16xi1>, vector<16xi32>
        %reduce_max3A_291 = arith.constant true
        %reduce_max3A_292 = vector.broadcast %reduce_max3A_291 : i1 to vector<16xi1>
        %reduce_max3A_293 = tpu.scan <max>, %select_n3A_286 masked %reduce_max3A_292 : vector<16xf32>, vector<16xi1> -> vector<16xf32>
        %reduce_max3A_294 = vector.extract %reduce_max3A_293[15] : f32 from vector<16xf32>
        %eq3A_295 = vector.broadcast %reduce_max3A_294 : f32 to vector<16xf32>
        %eq3A_296 = arith.cmpf oeq, %select_n3A_286, %eq3A_295 : vector<16xf32>
        %jit3A = arith.constant 256 : i32
        %broadcast_in_dim3A = vector.broadcast %jit3A : i32 to vector<16xi32>
        %select_n3A_297 = arith.select %eq3A_296, %select_n3A_290, %broadcast_in_dim3A : vector<16xi1>, vector<16xi32>
        %reduce_min3A = arith.constant true
        %reduce_min3A_298 = vector.broadcast %reduce_min3A : i1 to vector<16xi1>
        %reduce_min3A_299 = arith.constant -2147483648 : i32
        %reduce_min3A_300 = vector.broadcast %reduce_min3A_299 : i32 to vector<16xi32>
        %reduce_min3A_301 = arith.xori %select_n3A_297, %reduce_min3A_300 : vector<16xi32>
        %reduce_min3A_302 = tpu.scan <min>, %reduce_min3A_301 masked %reduce_min3A_298 : vector<16xi32>, vector<16xi1> -> vector<16xi32>
        %reduce_min3A_303 = arith.xori %reduce_min3A_302, %reduce_min3A_300 : vector<16xi32>
        %reduce_min3A_304 = vector.extract %reduce_min3A_303[15] : i32 from vector<16xi32>
        %ge3A = arith.cmpf oge, %reduce_max3A_294, %reduce_max3A_77 : f32
        %jit3A_305 = arith.constant -1.000000e+09 : f32
        %select_n3A_306 = arith.select %ge3A, %jit3A_305, %reduce_max3A_294 : f32
        %iota3A_307 = tpu.iota {dimensions = array<i32: 0>} : vector<16xi32>
        %broadcast_in_dim3A_308 = vector.broadcast %add3A_90 : i32 to vector<16xi32>
        %broadcast_in_dim3A_309 = vector.broadcast %select_n3A_306 : f32 to vector<16xf32>
        %eq3A_310 = arith.constant 0 : i32
        %eq3A_311 = vector.broadcast %eq3A_310 : i32 to vector<16xi32>
        %eq3A_312 = arith.cmpi eq, %iota3A_307, %eq3A_311 : vector<16xi32>
        tpu.vector_store_idx %arg12[%broadcast_in_dim3A_308], %broadcast_in_dim3A_309 masked %eq3A_312 : memref<256xf32, #tpu.memory_space<vmem>>[vector<16xi32>], vector<16xf32>, vector<16xi1>
        %jit3A_313 = arith.constant 256 : i32
        %select_n3A_314 = arith.select %ge3A, %reduce_min3A_304, %jit3A_313 : i32
        %iota3A_315 = tpu.iota {dimensions = array<i32: 0>} : vector<16xi32>
        %broadcast_in_dim3A_316 = vector.broadcast %select_n3A_314 : i32 to vector<16xi32>
        %broadcast_in_dim3A_317 = arith.constant -4.000000e+00 : f32
        %broadcast_in_dim3A_318 = vector.broadcast %broadcast_in_dim3A_317 : f32 to vector<16xf32>
        %eq3A_319 = arith.constant 0 : i32
        %eq3A_320 = vector.broadcast %eq3A_319 : i32 to vector<16xi32>
        %eq3A_321 = arith.cmpi eq, %iota3A_315, %eq3A_320 : vector<16xi32>
        tpu.vector_store_idx %arg13[%broadcast_in_dim3A_316], %broadcast_in_dim3A_318 masked %eq3A_321 : memref<272xf32, #tpu.memory_space<vmem>>[vector<16xi32>], vector<16xf32>, vector<16xi1>
        %jit3A_322 = arith.constant 256 : i32
        %select_n3A_323 = arith.select %ge3A, %add3A_90, %jit3A_322 : i32
        %iota3A_324 = tpu.iota {dimensions = array<i32: 0>} : vector<16xi32>
        %broadcast_in_dim3A_325 = vector.broadcast %select_n3A_323 : i32 to vector<16xi32>
        %broadcast_in_dim3A_326 = vector.broadcast %reduce_min3A_304 : i32 to vector<16xi32>
        %eq3A_327 = arith.constant 0 : i32
        %eq3A_328 = vector.broadcast %eq3A_327 : i32 to vector<16xi32>
        %eq3A_329 = arith.cmpi eq, %iota3A_324, %eq3A_328 : vector<16xi32>
        tpu.vector_store_idx %arg15[%broadcast_in_dim3A_325], %broadcast_in_dim3A_326 masked %eq3A_329 : memref<272xi32, #tpu.memory_space<vmem>>[vector<16xi32>], vector<16xi32>, vector<16xi1>
        %mul3A_330 = arith.constant 16 : i32
        %mul3A_331 = arith.muli %squeeze3A, %mul3A_330 : i32
        %get3A_332 = arith.index_cast %mul3A_331 : i32 to index
        %get3A_333 = tpu.vector_load %arg12[%get3A_332] {strides = array<i32>} : memref<256xf32, #tpu.memory_space<vmem>>, vector<16xf32>,
        %reduce_max3A_334 = arith.constant true
        %reduce_max3A_335 = vector.broadcast %reduce_max3A_334 : i1 to vector<16xi1>
        %reduce_max3A_336 = tpu.scan <max>, %get3A_333 masked %reduce_max3A_335 : vector<16xf32>, vector<16xi1> -> vector<16xf32>
        %reduce_max3A_337 = vector.extract %reduce_max3A_336[15] : f32 from vector<16xf32>
        %iota3A_338 = tpu.iota {dimensions = array<i32: 0>} : vector<16xi32>
        %broadcast_in_dim3A_339 = vector.broadcast %squeeze3A : i32 to vector<16xi32>
        %broadcast_in_dim3A_340 = vector.broadcast %reduce_max3A_337 : f32 to vector<16xf32>
        %eq3A_341 = arith.constant 0 : i32
        %eq3A_342 = vector.broadcast %eq3A_341 : i32 to vector<16xi32>
        %eq3A_343 = arith.cmpi eq, %iota3A_338, %eq3A_342 : vector<16xi32>
        tpu.vector_store_idx %arg14[%broadcast_in_dim3A_339], %broadcast_in_dim3A_340 masked %eq3A_343 : memref<16xf32, #tpu.memory_space<vmem>>[vector<16xi32>], vector<16xf32>, vector<16xi1>
        %jit3A_344 = arith.constant 1 : i32
        %jit3A_345 = arith.constant 0 : i32
        %select_n3A_346 = arith.select %ge3A, %jit3A_344, %jit3A_345 : i32
        %add3A_347 = arith.addi %while3A_72, %select_n3A_346 : i32
        %add3A_348 = arith.constant 1 : i32
        %add3A_349 = arith.addi %while3A_73, %add3A_348 : i32
        scf.yield %add3A_347, %add3A_349 : i32, i32
      }
      "tpu.region"() ({
        %run_scoped3A = tpu.sem_alloc : memref<!tpu.dma_semaphore, #tpu.memory_space<semaphore_mem>>
        %dma_start3A_72 = arith.constant 0 : i32
        %dma_start3A_73 = tpu.memref_slice %arg15[%dma_start3A_72] : memref<272xi32, #tpu.memory_space<vmem>> -> memref<256xi32, #tpu.memory_space<vmem>>
        %dma_start3A_74 = arith.constant 0 : i32
        %dma_start3A_75 = tpu.memref_slice %arg5[%add3A, %dma_start3A_74] : memref<16x256xi32, #tpu.memory_space<hbm>> -> memref<1x256xi32, #tpu.memory_space<hbm>>
        %dma_start3A_76 = tpu.memref_squeeze %dma_start3A_75 : memref<1x256xi32, #tpu.memory_space<hbm>> -> memref<256xi32, #tpu.memory_space<hbm>>
        %dma_start3A_77 = arith.constant 0 : i32
        %dma_start3A_78 = tpu.memref_slice %arg5[%add3A, %dma_start3A_77] : memref<16x256xi32, #tpu.memory_space<hbm>> -> memref<1x256xi32, #tpu.memory_space<hbm>>
        %dma_start3A_79 = tpu.memref_squeeze %dma_start3A_78 : memref<1x256xi32, #tpu.memory_space<hbm>> -> memref<256xi32, #tpu.memory_space<hbm>>
        %dma_start3A_80 = arith.constant 0 : i32
        %dma_start3A_81 = tpu.memref_slice %arg15[%dma_start3A_80] : memref<272xi32, #tpu.memory_space<vmem>> -> memref<256xi32, #tpu.memory_space<vmem>>
        tpu.enqueue_dma source(%dma_start3A_81 : memref<256xi32, #tpu.memory_space<vmem>>) target(%dma_start3A_79 : memref<256xi32, #tpu.memory_space<hbm>>) target_semaphore(%run_scoped3A : memref<!tpu.dma_semaphore, #tpu.memory_space<semaphore_mem>>)
        %dma_wait3A_82 = arith.constant 0 : i32
        %dma_wait3A_83 = tpu.memref_slice %arg15[%dma_wait3A_82] : memref<272xi32, #tpu.memory_space<vmem>> -> memref<256xi32, #tpu.memory_space<vmem>>
        %dma_wait3A_84 = arith.constant 0 : i32
        %dma_wait3A_85 = tpu.memref_slice %arg5[%add3A, %dma_wait3A_84] : memref<16x256xi32, #tpu.memory_space<hbm>> -> memref<1x256xi32, #tpu.memory_space<hbm>>
        %dma_wait3A_86 = tpu.memref_squeeze %dma_wait3A_85 : memref<1x256xi32, #tpu.memory_space<hbm>> -> memref<256xi32, #tpu.memory_space<hbm>>
        %dma_wait3A_87 = arith.constant 0 : i32
        %dma_wait3A_88 = tpu.memref_slice %arg5[%add3A, %dma_wait3A_87] : memref<16x256xi32, #tpu.memory_space<hbm>> -> memref<1x256xi32, #tpu.memory_space<hbm>>
        %dma_wait3A_89 = tpu.memref_squeeze %dma_wait3A_88 : memref<1x256xi32, #tpu.memory_space<hbm>> -> memref<256xi32, #tpu.memory_space<hbm>>
        %dma_wait3A_90 = arith.constant 0 : i32
        %dma_wait3A_91 = tpu.memref_slice %arg15[%dma_wait3A_90] : memref<272xi32, #tpu.memory_space<vmem>> -> memref<256xi32, #tpu.memory_space<vmem>>
        tpu.wait_dma2 semaphore(%run_scoped3A : memref<!tpu.dma_semaphore, #tpu.memory_space<semaphore_mem>>) src(%dma_wait3A_91 : memref<256xi32, #tpu.memory_space<vmem>>) dst(%dma_wait3A_89 : memref<256xi32, #tpu.memory_space<hbm>>)
        tpu.yield
      }) : () -> ()
      %scan3A_29 = arith.constant 0 : i32
      %scan3A_30 = arith.constant 0 : i32
      %scan3A_31 = arith.constant 16 : i32
      %scan3A_32 = arith.addi %scan3A_30, %scan3A_31 : i32
      %scan3A_33 = arith.constant 1 : i32
      scf.for %scan3A_72 = %scan3A_30 to %scan3A_32 step %scan3A_33  : i32 {
        %mul3A_73 = arith.constant 16 : i32
        %mul3A_74 = arith.muli %scan3A_72, %mul3A_73 : i32
        %get3A = arith.index_cast %mul3A_74 : i32 to index
        %get3A_75 = tpu.vector_load %arg15[%get3A] {strides = array<i32>} : memref<272xi32, #tpu.memory_space<vmem>>, vector<16xi32>,
        %mul3A_76 = arith.constant 16 : i32
        %mul3A_77 = arith.muli %scan3A_72, %mul3A_76 : i32
        %add3A_78 = vector.broadcast %mul3A_77 : i32 to vector<16xi32>
        %add3A_79 = arith.addi %add3A_78, %iota3A : vector<16xi32>
        %mul3A_80 = arith.constant 3 : i32
        %mul3A_81 = vector.broadcast %mul3A_80 : i32 to vector<16xi32>
        %mul3A_82 = arith.muli %add3A_79, %mul3A_81 : vector<16xi32>
        %add3A_83 = arith.constant 0 : i32
        %add3A_84 = vector.broadcast %add3A_83 : i32 to vector<16xi32>
        %add3A_85 = arith.addi %mul3A_82, %add3A_84 : vector<16xi32>
        %gather3A = tpu.vector_load_idx %arg10[%add3A_85] : memref<768xf32, #tpu.memory_space<vmem>>[vector<16xi32>], vector<16xf32>,
        %mul3A_86 = arith.constant 3 : i32
        %mul3A_87 = vector.broadcast %mul3A_86 : i32 to vector<16xi32>
        %mul3A_88 = arith.muli %get3A_75, %mul3A_87 : vector<16xi32>
        %add3A_89 = arith.constant 0 : i32
        %add3A_90 = vector.broadcast %add3A_89 : i32 to vector<16xi32>
        %add3A_91 = arith.addi %mul3A_88, %add3A_90 : vector<16xi32>
        tpu.vector_store_idx %arg11[%add3A_91], %gather3A : memref<768xf32, #tpu.memory_space<vmem>>[vector<16xi32>], vector<16xf32>,
        %add3A_92 = arith.constant 1 : i32
        %add3A_93 = vector.broadcast %add3A_92 : i32 to vector<16xi32>
        %add3A_94 = arith.addi %mul3A_82, %add3A_93 : vector<16xi32>
        %gather3A_95 = tpu.vector_load_idx %arg10[%add3A_94] : memref<768xf32, #tpu.memory_space<vmem>>[vector<16xi32>], vector<16xf32>,
        %mul3A_96 = arith.constant 3 : i32
        %mul3A_97 = vector.broadcast %mul3A_96 : i32 to vector<16xi32>
        %mul3A_98 = arith.muli %get3A_75, %mul3A_97 : vector<16xi32>
        %add3A_99 = arith.constant 1 : i32
        %add3A_100 = vector.broadcast %add3A_99 : i32 to vector<16xi32>
        %add3A_101 = arith.addi %mul3A_98, %add3A_100 : vector<16xi32>
        tpu.vector_store_idx %arg11[%add3A_101], %gather3A_95 : memref<768xf32, #tpu.memory_space<vmem>>[vector<16xi32>], vector<16xf32>,
        %add3A_102 = arith.constant 2 : i32
        %add3A_103 = vector.broadcast %add3A_102 : i32 to vector<16xi32>
        %add3A_104 = arith.addi %mul3A_82, %add3A_103 : vector<16xi32>
        %gather3A_105 = tpu.vector_load_idx %arg10[%add3A_104] : memref<768xf32, #tpu.memory_space<vmem>>[vector<16xi32>], vector<16xf32>,
        %mul3A_106 = arith.constant 3 : i32
        %mul3A_107 = vector.broadcast %mul3A_106 : i32 to vector<16xi32>
        %mul3A_108 = arith.muli %get3A_75, %mul3A_107 : vector<16xi32>
        %add3A_109 = arith.constant 2 : i32
        %add3A_110 = vector.broadcast %add3A_109 : i32 to vector<16xi32>
        %add3A_111 = arith.addi %mul3A_108, %add3A_110 : vector<16xi32>
        tpu.vector_store_idx %arg11[%add3A_111], %gather3A_105 : memref<768xf32, #tpu.memory_space<vmem>>[vector<16xi32>], vector<16xf32>,
      }
      %scan3A_34 = arith.constant 16 : i32
      "tpu.region"() ({
        %run_scoped3A = tpu.sem_alloc : memref<!tpu.dma_semaphore, #tpu.memory_space<semaphore_mem>>
        %dma_start3A_72 = arith.constant 0 : i32
        %dma_start3A_73 = tpu.memref_slice %arg6[%add3A, %dma_start3A_72] : memref<16x768xf32, #tpu.memory_space<hbm>> -> memref<1x768xf32, #tpu.memory_space<hbm>>
        %dma_start3A_74 = tpu.memref_squeeze %dma_start3A_73 : memref<1x768xf32, #tpu.memory_space<hbm>> -> memref<768xf32, #tpu.memory_space<hbm>>
        %dma_start3A_75 = arith.constant 0 : i32
        %dma_start3A_76 = tpu.memref_slice %arg6[%add3A, %dma_start3A_75] : memref<16x768xf32, #tpu.memory_space<hbm>> -> memref<1x768xf32, #tpu.memory_space<hbm>>
        %dma_start3A_77 = tpu.memref_squeeze %dma_start3A_76 : memref<1x768xf32, #tpu.memory_space<hbm>> -> memref<768xf32, #tpu.memory_space<hbm>>
        tpu.enqueue_dma source(%arg11 : memref<768xf32, #tpu.memory_space<vmem>>) target(%dma_start3A_77 : memref<768xf32, #tpu.memory_space<hbm>>) target_semaphore(%run_scoped3A : memref<!tpu.dma_semaphore, #tpu.memory_space<semaphore_mem>>)
        %dma_wait3A_78 = arith.constant 0 : i32
        %dma_wait3A_79 = tpu.memref_slice %arg6[%add3A, %dma_wait3A_78] : memref<16x768xf32, #tpu.memory_space<hbm>> -> memref<1x768xf32, #tpu.memory_space<hbm>>
        %dma_wait3A_80 = tpu.memref_squeeze %dma_wait3A_79 : memref<1x768xf32, #tpu.memory_space<hbm>> -> memref<768xf32, #tpu.memory_space<hbm>>
        %dma_wait3A_81 = arith.constant 0 : i32
        %dma_wait3A_82 = tpu.memref_slice %arg6[%add3A, %dma_wait3A_81] : memref<16x768xf32, #tpu.memory_space<hbm>> -> memref<1x768xf32, #tpu.memory_space<hbm>>
        %dma_wait3A_83 = tpu.memref_squeeze %dma_wait3A_82 : memref<1x768xf32, #tpu.memory_space<hbm>> -> memref<768xf32, #tpu.memory_space<hbm>>
        tpu.wait_dma2 semaphore(%run_scoped3A : memref<!tpu.dma_semaphore, #tpu.memory_space<semaphore_mem>>) src(%arg11 : memref<768xf32, #tpu.memory_space<vmem>>) dst(%dma_wait3A_83 : memref<768xf32, #tpu.memory_space<hbm>>)
        tpu.yield
      }) : () -> ()
      %scan3A_35 = arith.constant 0 : i32
      %scan3A_36 = arith.constant 0 : i32
      %scan3A_37 = arith.constant 16 : i32
      %scan3A_38 = arith.addi %scan3A_36, %scan3A_37 : i32
      %scan3A_39 = arith.constant 1 : i32
      scf.for %scan3A_72 = %scan3A_36 to %scan3A_38 step %scan3A_39  : i32 {
        %mul3A_73 = arith.constant 16 : i32
        %mul3A_74 = arith.muli %scan3A_72, %mul3A_73 : i32
        %get3A = arith.index_cast %mul3A_74 : i32 to index
        %get3A_75 = tpu.vector_load %arg15[%get3A] {strides = array<i32>} : memref<272xi32, #tpu.memory_space<vmem>>, vector<16xi32>,
        %mul3A_76 = arith.constant 256 : i32
        %mul3A_77 = arith.muli %add3A, %mul3A_76 : i32
        %add3A_78 = vector.broadcast %mul3A_77 : i32 to vector<16xi32>
        %add3A_79 = arith.addi %get3A_75, %add3A_78 : vector<16xi32>
        %sub3A = arith.constant 8 : i32
        %sub3A_80 = arith.subi %scan3A_72, %sub3A : i32
        %lt3A_81 = arith.constant 8 : i32
        %lt3A_82 = arith.cmpi slt, %scan3A_72, %lt3A_81 : i32
        %convert_element_type3A_83 = arith.extui %lt3A_82 : i1 to i32
        %cond3A_84 = arith.constant 0 : i32
        %cond3A_85 = arith.cmpi ne, %convert_element_type3A_83, %cond3A_84 : i32
        scf.if %cond3A_85 {
          %mul3A_90 = arith.constant 16 : i32
          %mul3A_91 = arith.muli %scan3A_72, %mul3A_90 : i32
          %swap3A = arith.index_cast %mul3A_91 : i32 to index
          %swap3A_92 = tpu.vector_load %arg16[%swap3A] {strides = array<i32>} : memref<128xi32, #tpu.memory_space<vmem>>, vector<16xi32>,
          tpu.vector_store %arg16[%swap3A], %add3A_79 {strides = array<i32>} : memref<128xi32, #tpu.memory_space<vmem>>, vector<16xi32>,
        } else {
        }
        %ge3A = arith.constant 8 : i32
        %ge3A_86 = arith.cmpi sge, %scan3A_72, %ge3A : i32
        %convert_element_type3A_87 = arith.extui %ge3A_86 : i1 to i32
        %cond3A_88 = arith.constant 0 : i32
        %cond3A_89 = arith.cmpi ne, %convert_element_type3A_87, %cond3A_88 : i32
        scf.if %cond3A_89 {
          %mul3A_90 = arith.constant 16 : i32
          %mul3A_91 = arith.muli %sub3A_80, %mul3A_90 : i32
          %swap3A = arith.index_cast %mul3A_91 : i32 to index
          %swap3A_92 = tpu.vector_load %arg17[%swap3A] {strides = array<i32>} : memref<128xi32, #tpu.memory_space<vmem>>, vector<16xi32>,
          tpu.vector_store %arg17[%swap3A], %add3A_79 {strides = array<i32>} : memref<128xi32, #tpu.memory_space<vmem>>, vector<16xi32>,
        } else {
        }
      }
      %scan3A_40 = arith.constant 16 : i32
      %dma_wait3A = arith.constant 0 : i32
      %dma_wait3A_41 = arith.constant 0 : i32
      %dma_wait3A_42 = tpu.memref_slice %arg3[%add3A, %dma_wait3A, %dma_wait3A_41] : memref<16x256x128xf32, #tpu.memory_space<hbm>> -> memref<1x256x128xf32, #tpu.memory_space<hbm>>
      %dma_wait3A_43 = tpu.memref_squeeze %dma_wait3A_42 : memref<1x256x128xf32, #tpu.memory_space<hbm>> -> memref<256x128xf32, #tpu.memory_space<hbm>>
      %dma_wait3A_44 = arith.constant 0 : i32
      %dma_wait3A_45 = arith.constant 0 : i32
      %dma_wait3A_46 = tpu.memref_slice %arg3[%add3A, %dma_wait3A_44, %dma_wait3A_45] : memref<16x256x128xf32, #tpu.memory_space<hbm>> -> memref<1x256x128xf32, #tpu.memory_space<hbm>>
      %dma_wait3A_47 = tpu.memref_squeeze %dma_wait3A_46 : memref<1x256x128xf32, #tpu.memory_space<hbm>> -> memref<256x128xf32, #tpu.memory_space<hbm>>
      tpu.wait_dma2 semaphore(%arg18 : memref<!tpu.dma_semaphore, #tpu.memory_space<semaphore_mem>>) src(%dma_wait3A_47 : memref<256x128xf32, #tpu.memory_space<hbm>>) dst(%arg9 : memref<256x128xf32, #tpu.memory_space<vmem>>)
      %dma_start3A_48 = arith.constant 0 : i32
      %dma_start3A_49 = arith.constant 0 : i32
      %dma_start3A_50 = tpu.memref_slice %arg9[%dma_start3A_48, %dma_start3A_49] : memref<256x128xf32, #tpu.memory_space<vmem>> -> memref<128x128xf32, #tpu.memory_space<vmem>>
      %dma_start3A_51 = arith.constant 0 : i32
      %dma_start3A_52 = arith.constant 0 : i32
      %dma_start3A_53 = tpu.memref_slice %arg7[%dma_start3A_51, %dma_start3A_52] : memref<4096x128xf32, #tpu.memory_space<hbm>> -> memref<4096x128xf32, #tpu.memory_space<hbm>>
      tpu.enqueue_indirect_dma source(%dma_start3A_50 : memref<128x128xf32, #tpu.memory_space<vmem>>) target(%dma_start3A_53 : memref<4096x128xf32, #tpu.memory_space<hbm>>) offsets(%arg16 : memref<128xi32, #tpu.memory_space<vmem>>) semaphore(%arg19 : memref<!tpu.dma_semaphore, #tpu.memory_space<semaphore_mem>>)
      %dma_start3A_54 = arith.constant 128 : i32
      %dma_start3A_55 = arith.constant 0 : i32
      %dma_start3A_56 = tpu.memref_slice %arg9[%dma_start3A_54, %dma_start3A_55] : memref<256x128xf32, #tpu.memory_space<vmem>> -> memref<128x128xf32, #tpu.memory_space<vmem>>
      %dma_start3A_57 = arith.constant 0 : i32
      %dma_start3A_58 = arith.constant 0 : i32
      %dma_start3A_59 = tpu.memref_slice %arg7[%dma_start3A_57, %dma_start3A_58] : memref<4096x128xf32, #tpu.memory_space<hbm>> -> memref<4096x128xf32, #tpu.memory_space<hbm>>
      tpu.enqueue_indirect_dma source(%dma_start3A_56 : memref<128x128xf32, #tpu.memory_space<vmem>>) target(%dma_start3A_59 : memref<4096x128xf32, #tpu.memory_space<hbm>>) offsets(%arg17 : memref<128xi32, #tpu.memory_space<vmem>>) semaphore(%arg19 : memref<!tpu.dma_semaphore, #tpu.memory_space<semaphore_mem>>)
      %dma_wait3A_60 = arith.constant 0 : i32
      %dma_wait3A_61 = arith.constant 0 : i32
      %dma_wait3A_62 = tpu.memref_slice %arg9[%dma_wait3A_60, %dma_wait3A_61] : memref<256x128xf32, #tpu.memory_space<vmem>> -> memref<128x128xf32, #tpu.memory_space<vmem>>
      %dma_wait3A_63 = arith.constant 0 : i32
      %dma_wait3A_64 = arith.constant 0 : i32
      %dma_wait3A_65 = tpu.memref_slice %arg7[%dma_wait3A_63, %dma_wait3A_64] : memref<4096x128xf32, #tpu.memory_space<hbm>> -> memref<4096x128xf32, #tpu.memory_space<hbm>>
      tpu.wait_indirect_dma semaphore(%arg19 : memref<!tpu.dma_semaphore, #tpu.memory_space<semaphore_mem>>) src(%dma_wait3A_62 : memref<128x128xf32, #tpu.memory_space<vmem>>) dst(%dma_wait3A_65 : memref<4096x128xf32, #tpu.memory_space<hbm>>)
      %dma_wait3A_66 = arith.constant 128 : i32
      %dma_wait3A_67 = arith.constant 0 : i32
      %dma_wait3A_68 = tpu.memref_slice %arg9[%dma_wait3A_66, %dma_wait3A_67] : memref<256x128xf32, #tpu.memory_space<vmem>> -> memref<128x128xf32, #tpu.memory_space<vmem>>
      %dma_wait3A_69 = arith.constant 0 : i32
      %dma_wait3A_70 = arith.constant 0 : i32
      %dma_wait3A_71 = tpu.memref_slice %arg7[%dma_wait3A_69, %dma_wait3A_70] : memref<4096x128xf32, #tpu.memory_space<hbm>> -> memref<4096x128xf32, #tpu.memory_space<hbm>>
      tpu.wait_indirect_dma semaphore(%arg19 : memref<!tpu.dma_semaphore, #tpu.memory_space<semaphore_mem>>) src(%dma_wait3A_68 : memref<128x128xf32, #tpu.memory_space<vmem>>) dst(%dma_wait3A_71 : memref<4096x128xf32, #tpu.memory_space<hbm>>)
    } else {
    }
    return
  }
}

module attributes {stable_mosaic.version = 14 : i64} {
  func.func @_tc_scores_body(%arg0: i32, %arg1: memref<1x256x128xf32, #tpu.memory_space<vmem>>, %arg2: memref<128x256xf32, #tpu.memory_space<vmem>>, %arg3: memref<1x256xf32, #tpu.memory_space<vmem>>, %arg4: memref<256x256xf32, #tpu.memory_space<vmem>>, %arg5: memref<1x256xf32, #tpu.memory_space<vmem>>, %arg6: memref<1x256x256xf32, #tpu.memory_space<vmem>>) attributes {dimension_semantics = [#tpu.dimension_semantics<arbitrary>], iteration_bounds = array<i64: 16>, scalar_prefetch = 0 : i64, scratch_operands = 0 : i64, tpu.core_type = #tpu.core_type<tc>, window_params = [{transform_indices = @transform_0, window_bounds = array<i64: 1, 256, 128>}, {pipeline_mode = #tpu.pipeline_mode<synchronous>, transform_indices = @transform_1, window_bounds = array<i64: 128, 256>}, {pipeline_mode = #tpu.pipeline_mode<synchronous>, transform_indices = @transform_2, window_bounds = array<i64: 1, 256>}, {pipeline_mode = #tpu.pipeline_mode<synchronous>, transform_indices = @transform_3, window_bounds = array<i64: 256, 256>}, {pipeline_mode = #tpu.pipeline_mode<synchronous>, transform_indices = @transform_4, window_bounds = array<i64: 1, 256>}, {transform_indices = @transform_5, window_bounds = array<i64: 1, 256, 256>}]} {
    %get3A = arith.constant 0 : index
    %get3A_0 = arith.constant 0 : index
    %get3A_1 = arith.constant 0 : index
    %get3A_2 = vector.load %arg1[%get3A, %get3A_0, %get3A_1] : memref<1x256x128xf32, #tpu.memory_space<vmem>>, vector<1x256x128xf32>
    %get3A_3 = vector.shape_cast %get3A_2 : vector<1x256x128xf32> to vector<256x128xf32>
    %get3A_4 = arith.constant 0 : index
    %get3A_5 = arith.constant 0 : index
    %get3A_6 = vector.load %arg2[%get3A_4, %get3A_5] : memref<128x256xf32, #tpu.memory_space<vmem>>, vector<128x256xf32>
    %dot_general3A = arith.constant dense<0.000000e+00> : vector<256x256xf32>
    %dot_general3A_7 = tpu.matmul %get3A_3, %get3A_6, %dot_general3A {dimension_numbers = #tpu.dot_dimension_numbers<[1], [0], [0], [1], [0, 0, 1, 1], [], []>, transpose_lhs_hint = false} : vector<256x128xf32>, vector<128x256xf32>, vector<256x256xf32> -> vector<256x256xf32>
    %get3A_8 = arith.constant 0 : index
    %get3A_9 = arith.constant 0 : index
    %get3A_10 = vector.load %arg3[%get3A_8, %get3A_9] : memref<1x256xf32, #tpu.memory_space<vmem>>, vector<1x256xf32>
    %add3A = vector.broadcast %get3A_10 : vector<1x256xf32> to vector<256x256xf32>
    %add3A_11 = arith.addf %dot_general3A_7, %add3A : vector<256x256xf32>
    %max3A = arith.constant 0.000000e+00 : f32
    %max3A_12 = vector.broadcast %max3A : f32 to vector<256x256xf32>
    %max3A_13 = arith.maximumf %add3A_11, %max3A_12 : vector<256x256xf32>
    %get3A_14 = arith.constant 0 : index
    %get3A_15 = arith.constant 0 : index
    %get3A_16 = vector.load %arg4[%get3A_14, %get3A_15] : memref<256x256xf32, #tpu.memory_space<vmem>>, vector<256x256xf32>
    %dot_general3A_17 = arith.constant dense<0.000000e+00> : vector<256x256xf32>
    %dot_general3A_18 = tpu.matmul %max3A_13, %get3A_16, %dot_general3A_17 {dimension_numbers = #tpu.dot_dimension_numbers<[1], [0], [0], [1], [0, 0, 1, 1], [], []>, transpose_lhs_hint = false} : vector<256x256xf32>, vector<256x256xf32>, vector<256x256xf32> -> vector<256x256xf32>
    %get3A_19 = arith.constant 0 : index
    %get3A_20 = arith.constant 0 : index
    %get3A_21 = vector.load %arg5[%get3A_19, %get3A_20] : memref<1x256xf32, #tpu.memory_space<vmem>>, vector<1x256xf32>
    %add3A_22 = vector.broadcast %get3A_21 : vector<1x256xf32> to vector<256x256xf32>
    %add3A_23 = arith.addf %dot_general3A_18, %add3A_22 : vector<256x256xf32>
    %div3A = arith.constant 1.000000e-01 : f32
    %div3A_24 = vector.broadcast %div3A : f32 to vector<256x256xf32>
    %div3A_25 = arith.divf %add3A_23, %div3A_24 : vector<256x256xf32>
    %scan3A = arith.constant 0 : i32
    %scan3A_26 = arith.constant 10 : i32
    %scan3A_27 = arith.addi %scan3A, %scan3A_26 : i32
    %scan3A_28 = arith.constant 1 : i32
    %scan3A_29 = scf.for %scan3A_35 = %scan3A to %scan3A_27 step %scan3A_28 iter_args(%scan3A_36 = %div3A_25) -> (vector<256x256xf32>)  : i32 {
      %reduce_max3A = arith.constant dense<0xFF800000> : vector<256xf32>
      %reduce_max3A_37 = vector.multi_reduction <maximumf>, %scan3A_36, %reduce_max3A [1] : vector<256x256xf32> to vector<256xf32>
      %broadcast_in_dim3A = vector.shape_cast %reduce_max3A_37 : vector<256xf32> to vector<256x1xf32>
      %sub3A = vector.broadcast %broadcast_in_dim3A : vector<256x1xf32> to vector<256x256xf32>
      %sub3A_38 = arith.subf %scan3A_36, %sub3A : vector<256x256xf32>
      %exp3A_39 = math.exp %sub3A_38 : vector<256x256xf32>
      %broadcast_in_dim3A_40 = arith.constant 1.000000e+00 : f32
      %broadcast_in_dim3A_41 = vector.broadcast %broadcast_in_dim3A_40 : f32 to vector<256x1xf32>
      %dot_general3A_42 = arith.constant dense<0.000000e+00> : vector<256x1xf32>
      %dot_general3A_43 = tpu.matmul %exp3A_39, %broadcast_in_dim3A_41, %dot_general3A_42 {dimension_numbers = #tpu.dot_dimension_numbers<[1], [0], [0], [1], [0, 0, 1, 1], [], []>, precision = #tpu.contract_precision<fp32>, transpose_lhs_hint = false} : vector<256x256xf32>, vector<256x1xf32>, vector<256x1xf32> -> vector<256x1xf32>
      %log3A = math.log %dot_general3A_43 : vector<256x1xf32>
      %add3A_44 = arith.addf %broadcast_in_dim3A, %log3A : vector<256x1xf32>
      %sub3A_45 = vector.broadcast %add3A_44 : vector<256x1xf32> to vector<256x256xf32>
      %sub3A_46 = arith.subf %scan3A_36, %sub3A_45 : vector<256x256xf32>
      %reduce_max3A_47 = arith.constant dense<0xFF800000> : vector<256xf32>
      %reduce_max3A_48 = vector.multi_reduction <maximumf>, %sub3A_46, %reduce_max3A_47 [0] : vector<256x256xf32> to vector<256xf32>
      %broadcast_in_dim3A_49 = vector.shape_cast %reduce_max3A_48 : vector<256xf32> to vector<1x256xf32>
      %sub3A_50 = vector.broadcast %broadcast_in_dim3A_49 : vector<1x256xf32> to vector<256x256xf32>
      %sub3A_51 = arith.subf %sub3A_46, %sub3A_50 : vector<256x256xf32>
      %exp3A_52 = math.exp %sub3A_51 : vector<256x256xf32>
      %broadcast_in_dim3A_53 = arith.constant 1.000000e+00 : f32
      %broadcast_in_dim3A_54 = vector.broadcast %broadcast_in_dim3A_53 : f32 to vector<1x256xf32>
      %dot_general3A_55 = arith.constant dense<0.000000e+00> : vector<1x256xf32>
      %dot_general3A_56 = tpu.matmul %broadcast_in_dim3A_54, %exp3A_52, %dot_general3A_55 {dimension_numbers = #tpu.dot_dimension_numbers<[1], [0], [0], [1], [0, 0, 1, 1], [], []>, precision = #tpu.contract_precision<fp32>, transpose_lhs_hint = false} : vector<1x256xf32>, vector<256x256xf32>, vector<1x256xf32> -> vector<1x256xf32>
      %log3A_57 = math.log %dot_general3A_56 : vector<1x256xf32>
      %add3A_58 = arith.addf %broadcast_in_dim3A_49, %log3A_57 : vector<1x256xf32>
      %sub3A_59 = vector.broadcast %add3A_58 : vector<1x256xf32> to vector<256x256xf32>
      %sub3A_60 = arith.subf %sub3A_46, %sub3A_59 : vector<256x256xf32>
      scf.yield %sub3A_60 : vector<256x256xf32>
    }
    %exp3A = math.exp %scan3A_29 : vector<256x256xf32>
    %swap3A = arith.constant 0 : index
    %swap3A_30 = arith.constant 0 : index
    %swap3A_31 = arith.constant 0 : index
    %swap3A_32 = vector.load %arg6[%swap3A, %swap3A_30, %swap3A_31] : memref<1x256x256xf32, #tpu.memory_space<vmem>>, vector<1x256x256xf32>
    %swap3A_33 = vector.shape_cast %swap3A_32 : vector<1x256x256xf32> to vector<256x256xf32>
    %swap3A_34 = vector.shape_cast %exp3A : vector<256x256xf32> to vector<1x256x256xf32>
    tpu.vector_store %arg6[%swap3A, %swap3A_30, %swap3A_31], %swap3A_34 {strides = array<i32>} : memref<1x256x256xf32, #tpu.memory_space<vmem>>, vector<1x256x256xf32>,
    return
  }
  func.func @transform_0(%arg0: i32) -> (i32, i32, i32) {
    %c0_i32 = arith.constant 0 : i32
    %c0_i32_0 = arith.constant 0 : i32
    %c0_i32_1 = arith.constant 0 : i32
    return %arg0, %c0_i32, %c0_i32_0 : i32, i32, i32
  }
  func.func @transform_1(%arg0: i32) -> (i32, i32) {
    %c0_i32 = arith.constant 0 : i32
    %c0_i32_0 = arith.constant 0 : i32
    %c0_i32_1 = arith.constant 0 : i32
    return %c0_i32, %c0_i32_0 : i32, i32
  }
  func.func @transform_2(%arg0: i32) -> (i32, i32) {
    %c0_i32 = arith.constant 0 : i32
    %c0_i32_0 = arith.constant 0 : i32
    %c0_i32_1 = arith.constant 0 : i32
    return %c0_i32, %c0_i32_0 : i32, i32
  }
  func.func @transform_3(%arg0: i32) -> (i32, i32) {
    %c0_i32 = arith.constant 0 : i32
    %c0_i32_0 = arith.constant 0 : i32
    %c0_i32_1 = arith.constant 0 : i32
    return %c0_i32, %c0_i32_0 : i32, i32
  }
  func.func @transform_4(%arg0: i32) -> (i32, i32) {
    %c0_i32 = arith.constant 0 : i32
    %c0_i32_0 = arith.constant 0 : i32
    %c0_i32_1 = arith.constant 0 : i32
    return %c0_i32, %c0_i32_0 : i32, i32
  }
  func.func @transform_5(%arg0: i32) -> (i32, i32, i32) {
    %c0_i32 = arith.constant 0 : i32
    %c0_i32_0 = arith.constant 0 : i32
    %c0_i32_1 = arith.constant 0 : i32
    return %arg0, %c0_i32, %c0_i32_0 : i32, i32, i32
  }
}

</mosaic_0001>

<sc_bundles>
// kernel: kernel.4.cloned.1.call-start
scs
__scs_entry_jumppad:
0x0: {  	(pc) =	sbr.rel $0x88, $3  }
0x1: {  	(tag) =	ssettag $0x0;
	lr =	simm.s32 $0x1  }
0x2: {  	[smem:$0x3F9B] =	sst lr;
	_ =	strace $0xD0000000  }
0x3: {  	_ = 	snop  }
0x4: {  	_ = 	snop  }
0x5: {  	_ = 	snop  }
0x6: {  	_ = 	snop  }
0x7: {  	_ = 	snop  }
__scs_overlays_trampoline_lowered:
0x8: {  	[smem:$0x3FAA] =	sst s0  }
0x9: {  	[smem:$0x3FAB] =	sst s1  }
0xa: {  	[smem:$0x3FAC] =	sst s2  }
0xb: {  	[smem:$0x3FAD] =	sst s3  }
0xc: {  	[smem:$0x3FAE] =	sst s4  }
0xd: {  	[smem:$0x3FAF] =	sst s5  }
0xe: {  	[smem:$0x3FB0] =	sst s6  }
0xf: {  	[smem:$0x3FB1] =	sst s7  }
0x10: {  	[smem:$0x3FB2] =	sst s8  }
0x11: {  	[smem:$0x3FB3] =	sst s9;
	s0 =	simm.s32 @!p0 $0x0  }
0x12: {  	s1 =	sld [smem:$0x3F99];
	s0 =	simm.s32 @p0 $0x1  }
0x13: {  	[smem:$0x3FB4] =	sst s0;
	s0 =	simm.s32 @!p1 $0x0  }
0x14: {  	s2 =	sld [smem:$0x3F98];
	s0 =	simm.s32 @p1 $0x1  }
0x15: {  	[smem:$0x3FB5] =	sst s0;
	s0 =	simm.s32 @!p2 $0x0  }
0x16: {  	s3 =	sld [smem:$0x3FDB];
	s0 =	simm.s32 @p2 $0x1  }
0x17: {  	s4 =	simm.s32 $0x1BF5;
	[smem:$0x3FB7] =	sst s0  }
0x18: {  	s0 =	sld [smem:$0x3F9A];
	_ =	swait.ge [sflag:s4], $0x0  }
0x19: {  	s7 =	sld [smem:$0x3F9B]  }
0x1a: {  	s8 =	sadd.s32 $0xFFFFE003, lr  }
0x1b: {  	s9 =	sadd.s32 $0xFFFFFEF7, lr;
	s5 =	simm.s32 $0xFFFFFFFF;
	p2 =	slt.u32 s8, $0xFFFFF086  }
0x1c: {  	p1 =	slt.u32 s9, $0xF7A;
	s5 =	simm.s32 @!p2 $0x0  }
0x1d: {  	s5 =	simm.s32 @p1 $0x1;
	p0 =	seq.s32 s7, s2  }
0x1e: {  	s7 =	smul.u32 @!p0 $0xF7A, s2;
	p2 =	seq.s32 @!p0 s5, $0x0  }
0x1f: {  	s9 =	smul.u32 $0xF7A, s1;
	s8 =	simm.s32 @!p0 $0x1BF5;
	p2 =	por !p2, p0  }
0x20: {  	[sflag:s8] =	ssyncset.s32 @!p0 $0xFFFFF086;
	s6 =	sadd.s32 @!p0 s3, s7;
	s7 =	simm.s32 @!p0 $0x108  }
0x21: {  	s3 =	sadd.s32 s3, s9;
	s6 =	sadd.s32 @!p0 $0x88, s6;
	s7 =	simm.s32 @p2 $0x1082  }
0x22: {  	[simem:s7], [sflag:s8] =	dma.local @!p0 [hbm:s6], $0xF7A  }
0x23: {  	s9 =	sor.u32 $0xD0000000, s2;
	s6 =	simm.s32 $0x108;
	_ =	swait.ge @!p0 [sflag:s8], $0x0  }
0x24: {  	s3 =	sadd.s32 $0x88, s3;
	s6 =	simm.s32 @!p1 $0x1082;
	[sflag:s4] =	ssyncset.s32 $0xFFFFF086  }
0x25: {  	[simem:s6], [sflag:s4] =	dma.local [hbm:s3], $0xF7A  }
0x26: {  	[smem:$0x3F9B] =	sst s1;
	(tag) =	ssettag s2;
	_ =	strace s9  }
0x27: {  	s1 =	sld [smem:$0x3FAB]  }
0x28: {  	s2 =	sld [smem:$0x3FAC]  }
0x29: {  	s4 =	sld [smem:$0x3FAE]  }
0x2a: {  	p0 =	seq.s32 s5, $0x0;
	s5 =	sld [smem:$0x3FAF]  }
0x2b: {  	s6 =	sld [smem:$0x3FB0]  }
0x2c: {  	s7 =	sld [smem:$0x3FB1]  }
0x2d: {  	s3 =	simm.s32 $0x108;
	s8 =	sld [smem:$0x3FB2]  }
0x2e: {  	s3 =	simm.s32 @!p0 $0x1082;
	s9 =	sld [smem:$0x3FB3]  }
0x2f: {  	lr =	sadd.s32 s0, s3;
	s0 =	sld [smem:$0x3FAA]  }
0x30: {  	s3 =	sld [smem:$0x3FAD]  }
0x31: {  	[smem:$0x3FB6] =	sst s10  }
0x32: {  	s10 =	sld [smem:$0x3FB4];
	_ =	sdelay $0x3  }
0x33: {  	p0 =	seq.s32 s10, $0x1;
	s10 =	sld [smem:$0x3FB6];
	_ =	sdelay $0x3  }
0x34: {  	[smem:$0x3FB6] =	sst s10  }
0x35: {  	s10 =	sld [smem:$0x3FB5];
	_ =	sdelay $0x3  }
0x36: {  	p1 =	seq.s32 s10, $0x1;
	s10 =	sld [smem:$0x3FB6];
	_ =	sdelay $0x3  }
0x37: {  	[smem:$0x3FB6] =	sst s10  }
0x38: {  	s10 =	sld [smem:$0x3FB7]  }
0x39: {  	_ = 	snop;
	(pc) =	sbr.ind lr, $3  }
0x3a: {  	_ = 	snop  }
0x3b: {  	_ = 	snop  }
0x3c: {  	p2 =	seq.s32 s10, $0x1;
	s10 =	sld [smem:$0x3FB6]  }
0x3d: {  	_ =	shalt  }
0x3e: {  	_ =	shalt  }
0x3f: {  	_ =	shalt  }
0x40: {  	_ =	shalt  }
0x41: {  	_ =	shalt  }
0x42: {  	_ =	shalt  }
0x43: {  	_ =	shalt  }
0x44: {  	_ =	shalt  }
0x45: {  	_ =	shalt  }
0x46: {  	_ =	shalt  }
0x47: {  	_ =	shalt  }
0x48: {  	_ =	shalt  }
0x49: {  	_ =	shalt  }
0x4a: {  	_ =	shalt  }
0x4b: {  	_ =	shalt  }
0x4c: {  	_ =	shalt  }
0x4d: {  	_ =	shalt  }
0x4e: {  	_ =	shalt  }
0x4f: {  	_ =	shalt  }
0x50: {  	_ =	shalt  }
0x51: {  	_ =	shalt  }
0x52: {  	_ =	shalt  }
0x53: {  	_ =	shalt  }
0x54: {  	_ =	shalt  }
0x55: {  	_ =	shalt  }
0x56: {  	_ =	shalt  }
0x57: {  	_ =	shalt  }
0x58: {  	_ =	shalt  }
0x59: {  	_ =	shalt  }
0x5a: {  	_ =	shalt  }
0x5b: {  	_ =	shalt  }
0x5c: {  	_ =	shalt  }
0x5d: {  	_ =	shalt  }
0x5e: {  	_ =	shalt  }
0x5f: {  	_ =	shalt  }
0x60: {  	_ =	shalt  }
0x61: {  	_ =	shalt  }
0x62: {  	_ =	shalt  }
0x63: {  	_ =	shalt  }
0x64: {  	_ =	shalt  }
0x65: {  	_ =	shalt  }
0x66: {  	_ =	shalt  }
0x67: {  	_ =	shalt  }
0x68: {  	_ =	shalt  }
0x69: {  	_ =	shalt  }
0x6a: {  	_ =	shalt  }
0x6b: {  	_ =	shalt  }
0x6c: {  	_ =	shalt  }
0x6d: {  	_ =	shalt  }
0x6e: {  	_ =	shalt  }
0x6f: {  	_ =	shalt  }
0x70: {  	_ =	shalt  }
0x71: {  	_ =	shalt  }
0x72: {  	_ =	shalt  }
0x73: {  	_ =	shalt  }
0x74: {  	_ =	shalt  }
0x75: {  	_ =	shalt  }
0x76: {  	_ =	shalt  }
0x77: {  	_ =	shalt  }
0x78: {  	_ =	shalt  }
0x79: {  	_ =	shalt  }
0x7a: {  	_ =	shalt  }
0x7b: {  	_ =	shalt  }
0x7c: {  	_ =	shalt  }
0x7d: {  	_ =	shalt  }
0x7e: {  	_ =	shalt  }
0x7f: {  	_ =	shalt  }
0x80: {  	_ =	shalt  }
0x81: {  	_ =	shalt  }
0x82: {  	_ =	shalt  }
0x83: {  	_ =	shalt  }
0x84: {  	_ =	shalt  }
0x85: {  	_ =	shalt  }
0x86: {  	_ =	shalt  }
0x87: {  	_ =	shalt  }
.Lfunc_end0:
.L_simem_size_0:
called_computation_lowered:
.L_overlay_start_0:
0x88: {  	s2 =	sld [smem:$0x3FD9]  }
0x89: {  	s3 =	sld [smem:$0x3FFE];
	_ =	sdelay $0x1  }
0x8a: {  	s1 =	srdreg.scid  }
0x8b: {  	s0 =	sand.u32 $0x1, s1  }
0x8c: {  	s14 =	sshll.u32 s0, $0xA;
	s2 =	sadd.s32 s3, s2  }
0x8d: {  	s2 =	sadd.s32 s2, s14  }
0x8e: {  	[smem:$0x3FC2] =	sst s2  }
0x8f: {  	_ = 	snop  }
0x90: {  	s2 =	sld [smem:$0x3FD0];
	_ =	sdelay $0x2  }
0x91: {  	s4 =	simm.s32 $0xA;
	s5 =	simm.s32 $0x10;
	s15 =	sld [smem:$0x3FC8]  }
0x92: {  	[smem:s5], [sflag:s4] =	dma.local [hbm:s2], $0x1  }
0x93: {  	_ =	swait.eq [sflag:s4], $0x1  }
0x94: {  	s16 =	sld [smem:$0x10];
	[sflag:s4] =	ssyncset.done $0x0  }
0x95: {  	s17 =	sld [smem:$0x11];
	[sflag:s4] =	ssyncadd.s32 $0xFFFFFFFF  }
0x96: {  	s18 =	sld [smem:$0x12];
	(tm) =	ssettm $0x1  }
0x97: {  	s6 =	sld [smem:$0x3FFB];
	_ =	sdelay $0x3  }
0x98: {  	_ =	strace s6  }
0x99: {  	s6 =	sld [smem:$0x3FFC];
	_ =	sdelay $0x3  }
0x9a: {  	_ =	strace s6  }
0x9b: {  	s6 =	sld [smem:$0x3FFD];
	_ =	sdelay $0x3  }
0x9c: {  	_ =	strace s6  }
0x9d: {  	_ =	strace $0x8FFFFFFF  }
0x9e: {  	s19 =	sld [smem:$0x3FDB];
	_ =	sdelay $0x1  }
0x9f: {  	s7 =	simm.s32 $_scs_section_size  }
0xa0: {  	s8 =	simm.s32 $_size__tile_overlayer_lowered;
	s9 =	simm.s32 $_tile_overlayer_lowered  }
0xa1: {  	s22 =	simm.s32 $0x1BFF;
	s21 =	sshll.u32 s9, $0x1;
	s6 =	sadd.s32 s7, s19  }
0xa2: {  	s10 =	simm.s32 $0x0;
	s20 =	sshll.u32 s8, $0x1;
	s8 =	sadd.s32 s21, s6  }
0xa3: {  	[timem:s10], [sflag:s22] =	dma.local [hbm:s8], s20  }
0xa4: {  	_ =	swait.ge [sflag:s22], s20  }
0xa5: {  	s7 =	ssub.s32 $0x0, s20;
	[sflag:s22] =	ssyncset.done $0x0  }
0xa6: {  	[sflag:s22] =	ssyncadd.s32 s7;
	_ =	sdelay $0x1  }
0xa7: {  	s23 =	simm.s32 $0x1B8B  }
0xa8: {  	_ =	swait.ge [sflag:s23], $0x1  }
0xa9: {  	[sflag:s23] =	ssyncset.done $0x0  }
0xaa: {  	s25 =	simm.s32 $0x1B8E;
	s24 =	sld [smem:$0x3FFE];
	[sflag:s23] =	ssyncadd.s32 $0xFFFFFFFF  }
0xab: {  	s26 =	simm.s32 $execute0_lowered;
	[smem:$0x3FD2] =	sst s25  }
0xac: {  	s8 =	sshll.u32 s26, $0x1;
	_ =	strace $0x80000046;
	[dreg:$0x1] =	wrdreg $0xFFFFFFFF  }
0xad: {  	s28 =	simm.s32 $_size_execute0_lowered;
	s6 =	sadd.s32 s6, s8;
	[dreg:$0x0] =	wrdreg $0x0  }
0xae: {  	s8 =	sshll.u32 s28, $0x1;
	[dreg:$0x2] =	wrdreg s6  }
0xaf: {  	[dreg:$0x3] =	wrdreg s8  }
0xb0: {  	[dreg:$0x4] =	wrdreg $0xC0  }
0xb1: {  	_ =	task [dreg:s10], $0x5FFFF  }
0xb2: {  	[dreg:$0x1] =	wrdreg $0xFFFFFFFF  }
0xb3: {  	[dreg:$0x0] =	wrdreg $0x60  }
0xb4: {  	[dreg:$0x2] =	wrdreg s24  }
0xb5: {  	[dreg:$0x3] =	wrdreg s15  }
0xb6: {  	[dreg:$0x4] =	wrdreg s16  }
0xb7: {  	[dreg:$0x5] =	wrdreg s18  }
0xb8: {  	[dreg:$0x6] =	wrdreg s17  }
0xb9: {  	[dreg:$0x7] =	wrdreg $0x9  }
0xba: {  	_ =	task.clear_ibuf [dreg:s10], $0x8FFFF;
	_ =	strace $0x90000046  }
0xbb: {  	s29 =	simm.s32 $0x9;
	_ =	strace $0x80000048  }
0xbc: {  	_ =	swait.ge [sflag:s29], $0x1  }
0xbd: {  	[sflag:s29] =	ssyncadd.s32 $0xFFFFFFFF  }
0xbe: {  	_ =	strace $0x90000048  }
0xbf: {  	_ =	sfence  }
0xc0: {  	s30 =	sld [smem:$0x0];
	_ =	sdelay $0x2  }
0xc1: {  	s31 =	sshll.u32 s1, $0xD;
	s1 =	sshrl.u32 s1, $0x2  }
0xc2: {  	s3 =	sand.u32 $0x4000, s31;
	s1 =	sadd.s32 s1, s30  }
0xc3: {  	s0 =	sor.u32 s3, s0;
	s1 =	sshll.u32 s1, $0x11  }
0xc4: {  	s0 =	sor.u32 s1, s0  }
0xc5: {  	s0 =	sadd.s32 $0x8F2B, s0  }
0xc6: {  	[sflag:s0] =	ssyncadd.remote.s32 $0x1  }
0xc7: {  	_ =	sfence.sel $0xFFFF  }
0xc8: {  	[dreg:$0x0] =	wrdreg $0xFFFFFFFF;
	(pc) =	sbr.abs _section_cstart, $3  }
0xc9: {  	[dreg:$0x1] =	wrdreg $0xFFFFFFFF  }
0xca: {  	_ =	task.clear_ibuf [dreg:s10], $0x2FFFF;
	_ =	strace $0x9FFFFFFF  }
0xcb: {  	(tm) =	ssettm $0x7FFFFFFF  }
tec
execute0_lowered:
.L_overlay_start_1:
0x0: {  	(tag) =	ssettag $0x1  }
0x1: {  	s1 =	stileid.u32  }
0x2: {  	s4 =	rddreg [dreg:$0x0];
	p0 =	sgt.u32 s1, $0x7  }
.Ltmp0:
0x3: {  	s12 =	rddreg [dreg:$0x1];
	(pc) =	sbr.rel @p0 .LBB2_13-.Ltmp0, $4  }
0x4: {  	s5 =	rddreg [dreg:$0x2]  }
0x5: {  	s10 =	rddreg [dreg:$0x3];
	s3 =	simm.s32 $0x0  }
0x6: {  	[smem:$0x7FF] =	sst s3  }
0x7: {  	s2 =	rddreg [dreg:$0x4];
	_ =	strace $0x80000047  }
0x8: {  	s6 =	srdreg.scid;
	s26 =	sshll.u32 s1, $0x1  }
0x9: {  	s7 =	sshrl.u32 s1, $0x2;
	s14 =	sadd.s32 $0x1400, s4;
	s18 =	simm.s32 $0x1  }
0xa: {  	s19 =	simm.s32 $0x80;
	s20 =	simm.s32 $0x18300;
	s21 =	simm.s32 $0x18A80  }
0xb: {  	s22 =	simm.s32 $0x18B00;
	s23 =	simm.s32 $0x14000;
	s24 =	simm.s32 $0x2  }
0xc: {  	s11 =	sand.u32 $0x1, s6;
	s9 =	smul.u32 $0x1800, s7;
	s29 =	sshll.u32 s7, $0xB  }
0xd: {  	s16 =	sshll.u32 s7, $0x13;
	s7 =	simm.s32 $0x400;
	s6 =	sor.u32 s11, s26  }
0xe: {  	v18 =	vlaneseq.u32;
	s11 =	ssub.s32 $0x2, s11;
	s8 =	sshll.u32 s6, $0x7;
	s30 =	sshll.u32 s6, $0x8  }
0xf: {  	v1 =	vor.u32 $0x80000010, v18;
	v2 =	vor.u32 $0x80000020, v18;
	s17 =	sshll.u32 s6, $0xC;
	s6 =	simm.s32 $0x10000;
	s31 =	sshrl.u32 s11, $0x1  }
0x10: {  	v3 =	vor.u32 $0x80000030, v18;
	v4 =	vor.u32 $0x80000040, v18;
	s13 =	sand.u32 $0x380, s8;
	s12 =	sadd.s32 s12, s17;
	s17 =	simm.s32 $0x18900  }
0x11: {  	v16 =	vimm.f32 $0.0e+00;
	v5 =	vor.u32 $0x80000050, v18;
	v6 =	vor.u32 $0x80000060, v18;
	s8 =	sor.u32 s9, s13;
	s15 =	sor.u32 s29, s13;
	s9 =	simm.s32 $0x18880  }
0x12: {  	v19 =	vimm.f32 $-4.000000000e+00;
	v7 =	vor.u32 $0x80000070, v18;
	v8 =	vor.u32 $0x80000080, v18;
	s13 =	sor.u32 s16, s13;
	s16 =	simm.s32 $0x18700;
	s8 =	sshrl.u32 s8, $0x3  }
0x13: {  	v9 =	vor.u32 $0x80000090, v18;
	v10 =	vor.u32 $0x80000000, v18;
	v11 =	vor.u32 $0x800000A0, v18;
	s15 =	sshrl.u32 s15, $0x3;
	s13 =	sshrl.u32 s13, $0x3;
	s28 =	sadd.s32 s8, s4  }
0x14: {  	v12 =	vor.u32 $0x800000B0, v18;
	v13 =	vor.u32 $0x800000C0, v18;
	v15 =	vmul.u32 $0x3, v18;
	s4 =	sadd.s32 s5, s8;
	s8 =	simm.s32 $0x18000;
	s10 =	sadd.s32 s10, s15  }
0x15: {  	v14 =	vor.u32 $0x800000D0, v18;
	v17 =	vor.u32 $0x800000E0, v18;
	v18 =	vor.u32 $0x800000F0, v18;
	s15 =	ssub.s32 s11, s31;
	s11 =	sadd.s32 s14, s13;
	s14 =	simm.s32 $0x3  }
0x16: {  	v20 =	vadd.s32 $0x1, v15;
	v21 =	vadd.s32 $0x2, v15;
	v0 =	vmov s30;
	s5 =	sadd.s32 $0x21400, s28;
	s13 =	smax.u32 s15, $0x1;
	s15 =	simm.s32 $0x18600  }
.LBB2_2:
0x17: {  	s25 =	simm.s32 $0x0  }
0x18: {  	[tilespmem:s6], [sflag:$0x1] =	stream.linear.gather [hbm4b:s12+s25], $0x8000, $0x38;
	[tilespmem:$0x18B80] =	vst v63  }
0x19: {  	_ = 	snop  }
0x1a: {  	[tilespmem:s25], [sflag:$0x3] =	stream.strided.gather [hbm4b:s11+s19], $0x10000, s7, s19, $0x38;
	[tilespmem:$0x18B80] =	vst v63  }
0x1b: {  	_ =	swait.ge [sflag:s14], $0x10000  }
0x1c: {  	[sflag:s14] =	ssyncset.done $0x0  }
0x1d: {  	[sflag:s14] =	ssyncadd.s32 $0xFFFF0000  }
0x1e: {  	[tilespmem:s8], [sflag:$0x3] =	stream.strided.gather [hbm4b:s4+s19], $0x300, s7, s19, $0x38;
	[tilespmem:$0x18B80] =	vst v63  }
0x1f: {  	_ =	swait.ge [sflag:s14], $0x300  }
0x20: {  	[sflag:s14] =	ssyncset.done $0x0  }
0x21: {  	[sflag:s14] =	ssyncadd.s32 $0xFFFFFD00  }
0x22: {  	[tilespmem:$0x18700] =	vst v16  }
0x23: {  	[tilespmem:$0x18710] =	vst v16  }
0x24: {  	[tilespmem:$0x18720] =	vst v16  }
0x25: {  	[tilespmem:$0x18730] =	vst v16  }
0x26: {  	[tilespmem:$0x18740] =	vst v16  }
0x27: {  	[tilespmem:$0x18750] =	vst v16  }
0x28: {  	[tilespmem:$0x18760] =	vst v16  }
0x29: {  	[tilespmem:$0x18770] =	vst v16  }
0x2a: {  	[tilespmem:$0x18780] =	vst v16  }
0x2b: {  	[tilespmem:$0x18790] =	vst v16  }
0x2c: {  	[tilespmem:$0x187A0] =	vst v16  }
0x2d: {  	[tilespmem:$0x187B0] =	vst v16  }
0x2e: {  	[tilespmem:$0x187C0] =	vst v16  }
0x2f: {  	[tilespmem:$0x187D0] =	vst v16  }
0x30: {  	[tilespmem:$0x187E0] =	vst v16  }
0x31: {  	[tilespmem:$0x187F0] =	vst v16  }
0x32: {  	v22 =	vld [tilespmem:s19+$0xFFFFFF90]  }
0x33: {  	s29 =	simm.s32 $0x1;
	s28 =	simm.s32 $0x80;
	s26 =	simm.s32 $0x0;
	v23 =	vld [tilespmem:s19+$0xFFFFFF80]  }
.LBB2_3:
0x34: {  	p0 =	sne.s32 s29, $0xFF;
	v24 =	vld [tilespmem:s28+$0xFFFFFFA0]  }
0x35: {  	v25 =	vld [tilespmem:s28+$0xFFFFFFB0]  }
0x36: {  	v26 =	vld [tilespmem:s28+$0xFFFFFFC0]  }
0x37: {  	v27 =	vld [tilespmem:s28+$0xFFFFFFD0]  }
0x38: {  	v22 =	vmax.f32 v23, v22;
	v23 =	vld [tilespmem:s28+$0xFFFFFFE0]  }
0x39: {  	v22 =	vmax.f32 v22, v24;
	v24 =	vld [tilespmem:s28+$0xFFFFFFF0]  }
0x3a: {  	v22 =	vmax.f32 v22, v25;
	v25 =	vld [tilespmem:s28+$0x0]  }
0x3b: {  	v22 =	vmax.f32 v22, v26;
	v26 =	vld [tilespmem:s28+$0x10]  }
0x3c: {  	v22 =	vmax.f32 v22, v27;
	v27 =	vld [tilespmem:s28+$0x20]  }
0x3d: {  	v22 =	vmax.f32 v22, v23;
	v23 =	vld [tilespmem:s28+$0x30]  }
0x3e: {  	v22 =	vmax.f32 v22, v24;
	v24 =	vld [tilespmem:s28+$0x40]  }
0x3f: {  	v22 =	vmax.f32 v22, v25;
	v25 =	vld [tilespmem:s28+$0x50]  }
0x40: {  	v22 =	vmax.f32 v22, v26;
	v26 =	vld [tilespmem:s28+$0x60]  }
0x41: {  	v22 =	vmax.f32 v22, v27;
	v27 =	vld [tilespmem:s28+$0x70]  }
0x42: {  	v22 =	vmax.f32 v22, v23  }
0x43: {  	v22 =	vmax.f32 v22, v24  }
0x44: {  	v22 =	vmax.f32 v22, v25  }
0x45: {  	v22 =	vmax.f32 v22, v26  }
0x46: {  	v22 =	vmax.f32 v22, v27  }
0x47: {  	(xrf0) =	vmax.scan.msk.f32 $0xffff, v22;
	_ =	sdelay $0x3  }
0x48: {  	v22 =	vmov s26;
	s26 =	smov.u32 s29;
	_ =	sdelay $0x1  }
0x49: {  	v23, _, _ =	vpop (xrf0)  }
.Ltmp1:
0x4a: {  	v23 =	vbroadcast v23, $0xF;
	(pc) =	sbr.rel @p0 .LBB2_3-.Ltmp1, $4  }
0x4b: {  	s30 =	simm.s32 $0x18600  }
0x4c: {  	s28 =	sadd.s32 $0x100, s28;
	[tilespmem:v22+s30+$0x0] =	vst.idx.msk $0x1, v23  }
0x4d: {  	v22 =	vld [tilespmem:s28+$0xFFFFFF90]  }
0x4e: {  	s29 =	sadd.s32 $0x1, s29;
	v23 =	vld [tilespmem:s28+$0xFFFFFF80]  }
0x4f: {  	v24 =	vld [tilespmem:s28+$0xFFFFFFA0]  }
0x50: {  	v25 =	vld [tilespmem:s28+$0xFFFFFFB0]  }
0x51: {  	v26 =	vld [tilespmem:s28+$0xFFFFFFC0]  }
0x52: {  	v27 =	vld [tilespmem:s28+$0xFFFFFFD0]  }
0x53: {  	v22 =	vmax.f32 v23, v22;
	v23 =	vld [tilespmem:s28+$0xFFFFFFE0]  }
0x54: {  	v56 =	vld [tilespmem:s28+$0xFFFFFFF0];
	v22 =	vmax.f32 v22, v24  }
0x55: {  	v57 =	vld [tilespmem:s28+$0x0];
	v22 =	vmax.f32 v22, v25  }
0x56: {  	v58 =	vld [tilespmem:s28+$0x10];
	v22 =	vmax.f32 v22, v26  }
0x57: {  	v59 =	vld [tilespmem:s28+$0x20];
	v22 =	vmax.f32 v22, v27  }
0x58: {  	v22 =	vmax.f32 v22, v23;
	v23 =	vld [tilespmem:s28+$0x30]  }
0x59: {  	v60 =	vld [tilespmem:s28+$0x40];
	v22 =	vmax.f32 v22, v56  }
0x5a: {  	v61 =	vld [tilespmem:s28+$0x50];
	v22 =	vmax.f32 v22, v57  }
0x5b: {  	v62 =	vld [tilespmem:s28+$0x60];
	v22 =	vmax.f32 v22, v58  }
0x5c: {  	v63 =	vld [tilespmem:s28+$0x70];
	v22 =	vmax.f32 v22, v59  }
0x5d: {  	v22 =	vmax.f32 v22, v23  }
0x5e: {  	v22 =	vmax.f32 v22, v60  }
0x5f: {  	v22 =	vmax.f32 v22, v61  }
0x60: {  	v22 =	vmax.f32 v22, v62  }
0x61: {  	v22 =	vmax.f32 v22, v63  }
0x62: {  	(xrf0) =	vmax.scan.msk.f32 $0xffff, v22;
	_ =	sdelay $0x3  }
0x63: {  	v22 =	vmov s26;
	_ =	sdelay $0x1  }
0x64: {  	v23, _, _ =	vpop (xrf0)  }
0x65: {  	v23 =	vbroadcast v23, $0xF;
	_ =	sdelay $0x1  }
0x66: {  	[tilespmem:v22+s30+$0x0] =	vst.idx.msk $0x1, v23  }
0x67: {  	s26 =	simm.s32 $0x1;
	v22 =	vld [tilespmem:s30+$0x0]  }
.LBB2_5:
0x68: {  	p0 =	sne.s32 s26, $0xF;
	_ =	sdelay $0x3  }
0x69: {  	(xrf0) =	vmax.scan.msk.f32 $0xffff, v22;
	_ =	sdelay $0x3  }
0x6a: {  	v22 =	vmov s25;
	s25 =	smov.u32 s26;
	_ =	sdelay $0x1  }
.Ltmp2:
0x6b: {  	v23, _, _ =	vpop (xrf0);
	(pc) =	sbr.rel @p0 .LBB2_5-.Ltmp2, $3  }
0x6c: {  	v23 =	vbroadcast v23, $0xF;
	_ =	sdelay $0x1  }
0x6d: {  	s30 =	sadd.s32 $0x10, s30;
	[tilespmem:v22+s9+$0x0] =	vst.idx.msk $0x1, v23  }
0x6e: {  	s26 =	sadd.s32 $0x1, s26;
	v22 =	vld [tilespmem:s30+$0x0]  }
0x6f: {  	_ =	sdelay $0x3  }
0x70: {  	(xrf0) =	vmax.scan.msk.f32 $0xffff, v22;
	_ =	sdelay $0x3  }
0x71: {  	v22 =	vmov s25;
	_ =	sdelay $0x1  }
0x72: {  	v23, _, _ =	vpop (xrf0)  }
0x73: {  	v23 =	vbroadcast v23, $0xF;
	_ =	sdelay $0x1  }
0x74: {  	s26 =	simm.s32 $0x0;
	s25 =	simm.s32 $0x0;
	[tilespmem:v22+s9+$0x0] =	vst.idx.msk $0x1, v23  }
.LBB2_7:
0x75: {  	v22 =	vld [tilespmem:$0x18880];
	_ =	sdelay $0x4  }
0x76: {  	(xrf0) =	vmax.scan.msk.f32 $0xffff, v22;
	_ =	sdelay $0x5  }
0x77: {  	v23, _, _ =	vpop (xrf0)  }
0x78: {  	v24 =	vbroadcast v23, $0xF;
	_ =	sdelay $0x1  }
0x79: {  	vm0 =	veq.f32 v22, v24  }
0x7a: {  	v22 =	vmctz.xlane vm0  }
0x7b: {  	(v2sf) =	vpush v23, $0xF  }
0x7c: {  	(v2sf) =	vpush v22, $0x0;
	_ =	sdelay $0xd  }
0x7d: {  	s29 =	spop (v2sf)  }
0x7e: {  	s28 =	spop (v2sf)  }
0x7f: {  	s28 =	sshll.u32 s28, $0x4  }
0x80: {  	v23 =	vld [tilespmem:s28+$0x18600];
	_ =	sdelay $0x4  }
0x81: {  	vm12 =	veq.f32 v23, v24  }
0x82: {  	v23 =	vmctz.xlane vm12;
	_ =	sdelay $0x1  }
0x83: {  	(v2sf) =	vpush v23, $0x0;
	_ =	sdelay $0xe  }
0x84: {  	s30 =	spop (v2sf)  }
0x85: {  	s30 =	sadd.s32 s28, s30  }
0x86: {  	v61 =	vld [tilespmem:$0x18700];
	s31 =	sshll.u32 s30, $0xA  }
0x87: {  	v26 =	vld [tilespmem:$0x18710];
	s31 =	sshra.s32 s31, $0x2  }
0x88: {  	v23 =	vld [tilespmem:s31+$0x0]  }
0x89: {  	v25 =	vld [tilespmem:s31+$0x10]  }
0x8a: {  	v28 =	vld [tilespmem:$0x18720]  }
0x8b: {  	v27 =	vld [tilespmem:s31+$0x20]  }
0x8c: {  	v30 =	vld [tilespmem:$0x18730]  }
0x8d: {  	v29 =	vld [tilespmem:s31+$0x30]  }
0x8e: {  	v33 =	vld [tilespmem:$0x18740];
	v23 =	vadd.f32 v61, v23;
	v62 =	vadd.f32 v26, v25  }
0x8f: {  	v63 =	vld [tilespmem:s31+$0x40]  }
0x90: {  	v35 =	vld [tilespmem:$0x18750];
	v27 =	vadd.f32 v28, v27;
	vm0 =	vgt.f32 v62, v23  }
0x91: {  	v34 =	vld [tilespmem:s31+$0x50];
	v23 =	vsel vm0, v62, v23  }
0x92: {  	v37 =	vld [tilespmem:$0x18760];
	v29 =	vadd.f32 v30, v29;
	vm1 =	vgt.f32 v27, v23  }
0x93: {  	v36 =	vld [tilespmem:s31+$0x60];
	v23 =	vsel vm1, v27, v23  }
0x94: {  	v39 =	vld [tilespmem:$0x18770];
	v25 =	vadd.f32 v33, v63;
	vm2 =	vgt.f32 v29, v23  }
0x95: {  	v38 =	vld [tilespmem:s31+$0x70];
	v23 =	vsel vm2, v29, v23  }
0x96: {  	v41 =	vld [tilespmem:$0x18780];
	v24 =	vadd.f32 v35, v34;
	vm3 =	vgt.f32 v25, v23  }
0x97: {  	v40 =	vld [tilespmem:s31+$0x80];
	v23 =	vsel vm3, v25, v23  }
0x98: {  	v43 =	vld [tilespmem:$0x18790];
	v27 =	vadd.f32 v37, v36;
	vm4 =	vgt.f32 v24, v23  }
0x99: {  	v42 =	vld [tilespmem:s31+$0x90];
	v23 =	vsel vm4, v24, v23  }
0x9a: {  	v45 =	vld [tilespmem:$0x187A0];
	v26 =	vadd.f32 v39, v38;
	vm5 =	vgt.f32 v27, v23  }
0x9b: {  	v44 =	vld [tilespmem:s31+$0xA0];
	v23 =	vsel vm5, v27, v23  }
0x9c: {  	v47 =	vld [tilespmem:$0x187B0];
	v25 =	vadd.f32 v41, v40;
	vm6 =	vgt.f32 v26, v23  }
0x9d: {  	v46 =	vld [tilespmem:s31+$0xB0];
	v23 =	vsel vm6, v26, v23  }
0x9e: {  	v49 =	vld [tilespmem:$0x187C0];
	v24 =	vadd.f32 v43, v42;
	vm7 =	vgt.f32 v25, v23  }
0x9f: {  	v48 =	vld [tilespmem:s31+$0xC0];
	v23 =	vsel vm7, v25, v23  }
0xa0: {  	v51 =	vld [tilespmem:$0x187D0];
	v27 =	vadd.f32 v45, v44;
	vm8 =	vgt.f32 v24, v23  }
0xa1: {  	v50 =	vld [tilespmem:s31+$0xD0];
	v23 =	vsel vm8, v24, v23  }
0xa2: {  	v53 =	vld [tilespmem:$0x187E0];
	v26 =	vadd.f32 v47, v46;
	vm9 =	vgt.f32 v27, v23  }
0xa3: {  	v52 =	vld [tilespmem:s31+$0xE0];
	v23 =	vsel vm9, v27, v23  }
0xa4: {  	v55 =	vld [tilespmem:$0x187F0];
	v25 =	vadd.f32 v49, v48;
	vm10 =	vgt.f32 v26, v23  }
0xa5: {  	v54 =	vld [tilespmem:s31+$0xF0];
	v23 =	vsel vm10, v26, v23  }
0xa6: {  	v24 =	vadd.f32 v51, v50;
	vm11 =	vgt.f32 v25, v23  }
0xa7: {  	v23 =	vsel vm11, v25, v23  }
0xa8: {  	v56 =	vadd.f32 v53, v52;
	vm12 =	vgt.f32 v24, v23  }
0xa9: {  	v57 =	vsel vm0, v1, v10;
	v23 =	vsel vm12, v24, v23  }
0xaa: {  	v26 =	vadd.f32 v55, v54;
	v24 =	vsel vm1, v2, v57;
	vm13 =	vgt.f32 v56, v23  }
0xab: {  	v24 =	vsel vm2, v3, v24;
	v23 =	vsel vm13, v56, v23  }
0xac: {  	v24 =	vsel vm3, v4, v24;
	vm14 =	vgt.f32 v26, v23  }
0xad: {  	v24 =	vsel vm4, v5, v24;
	v23 =	vsel vm14, v26, v23  }
0xae: {  	v24 =	vsel vm5, v6, v24;
	(xrf0) =	vmax.scan.msk.f32 $0xffff, v23  }
0xaf: {  	v24 =	vsel vm6, v7, v24  }
0xb0: {  	v24 =	vsel vm7, v8, v24  }
0xb1: {  	v24 =	vsel vm8, v9, v24  }
0xb2: {  	v24 =	vsel vm9, v11, v24  }
0xb3: {  	v24 =	vsel vm10, v12, v24  }
0xb4: {  	v24 =	vsel vm11, v13, v24;
	v58, _, _ =	vpop (xrf0)  }
0xb5: {  	v24 =	vsel vm12, v14, v24;
	v59 =	vbroadcast v58, $0xF  }
0xb6: {  	v24 =	vsel vm13, v17, v24  }
0xb7: {  	vm15 =	veq.f32 v23, v59;
	v23 =	vsel vm14, v18, v24  }
0xb8: {  	v23 =	vnsel vm15, $0x80000100, v23  }
0xb9: {  	(xrf0) =	vmin.scan.msk.u32 $0xffff, v23;
	_ =	sdelay $0x5  }
0xba: {  	(v2sf) =	vpush v58, $0xF;
	v23, _, _ =	vpop (xrf0)  }
0xbb: {  	(v2sf) =	vpush v23, $0xF;
	_ =	sdelay $0xd  }
0xbc: {  	s31 =	spop (v2sf)  }
0xbd: {  	p0 =	sge.f32 s31, s29;
	s0 =	spop (v2sf)  }
0xbe: {  	s0 =	sxor.u32 $0x80000000, s0  }
0xbf: {  	v60 =	vmov s30;
	v23 =	vmov s0;
	s0 =	simm.s32 @!p0 $0x100  }
0xc0: {  	s30 =	simm.s32 @!p0 $0x100;
	v61 =	vmov s0  }
0xc1: {  	v62 =	vmov s30  }
0xc2: {  	s31 =	simm.s32 @p0 $0xCE6E6B28  }
0xc3: {  	v63 =	vmov s31  }
0xc4: {  	[tilespmem:v60+s15+$0x0] =	vst.idx.msk $0x1, v63  }
0xc5: {  	[tilespmem:v61+s16+$0x0] =	vst.idx.msk $0x1, v19  }
0xc6: {  	[tilespmem:v62+s17+$0x0] =	vst.idx.msk $0x1, v23  }
0xc7: {  	v23 =	vld [tilespmem:s28+$0x18600];
	_ =	sdelay $0x3  }
0xc8: {  	s0 =	simm.s32 $0x1  }
0xc9: {  	s0 =	simm.s32 @!p0 $0x0;
	(xrf0) =	vmax.scan.msk.f32 $0xffff, v23  }
0xca: {  	s25 =	sadd.s32 s0, s25  }
0xcb: {  	p0 =	sgt.u32 s25, $0xFF  }
0xcc: {  	v22 =	vbroadcast v22, $0x0;
	p1 =	slt.u32 @!p0 s26, $0x100FF  }
0xcd: {  	p0 =	por p0, !p1  }
.Ltmp3:
0xce: {  	_ = 	snop;
	(pc) =	sbr.rel @!p0 .LBB2_7-.Ltmp3, $3  }
0xcf: {  	v23, _, _ =	vpop (xrf0)  }
0xd0: {  	v23 =	vbroadcast v23, $0xF;
	_ =	sdelay $0x1  }
0xd1: {  	s26 =	sadd.s32 $0x1, s26;
	[tilespmem:v22+s9+$0x0] =	vst.idx.msk $0x1, v23  }
0xd2: {  	s25 =	simm.s32 $0x18900;
	s0 =	simm.s32 $0x0  }
0xd3: {  	[hbm4b:s10+s19] =	stream.strided.scatter [tilespmem:s25], [sflag:$0x3], $0x100, s7, s19, $0x38;
	v22 =	vmov s0;
	[tilespmem:$0x18B80] =	vst v63  }
0xd4: {  	_ =	swait.ge [sflag:s14], $0x100;
	v22 =	vmul.u32 $0x3, v22  }
0xd5: {  	[sflag:s14] =	ssyncset.done $0x0  }
0xd6: {  	[sflag:s14] =	ssyncadd.s32 $0xFFFFFF00;
	v22 =	vbroadcast v22, $0x0  }
0xd7: {  	v23 =	vld [tilespmem:s25+$0x0]  }
0xd8: {  	v24 =	vadd.s32 v15, v22;
	_ =	sdelay $0x3  }
0xd9: {  	v25 =	vmul.u32 $0x3, v23  }
0xda: {  	v23 =	vld.idx.msk [tilespmem:v24+s8+$0x0], $0xffff  }
0xdb: {  	v24 =	vadd.s32 v20, v22;
	_ =	sdelay $0x3  }
0xdc: {  	[tilespmem:v25+s20+$0x0] =	vst.idx.msk $0xffff, v23  }
0xdd: {  	v23 =	vld.idx.msk [tilespmem:v24+s8+$0x0], $0xffff;
	v24 =	vadd.s32 $0x1, v25  }
0xde: {  	v22 =	vadd.s32 v21, v22;
	_ =	sdelay $0x3  }
0xdf: {  	s31 =	simm.s32 $0x10;
	[tilespmem:v24+s20+$0x0] =	vst.idx.msk $0xffff, v23  }
0xe0: {  	v26 =	vmov s31;
	v24 =	vadd.s32 $0x2, v25;
	v23 =	vld.idx.msk [tilespmem:v22+s8+$0x0], $0xffff  }
0xe1: {  	v26 =	vmul.u32 $0x3, v26;
	_ =	sdelay $0x1  }
0xe2: {  	s26 =	simm.s32 $0x20;
	v22 =	vbroadcast v26, $0x0  }
.LBB2_9:
0xe3: {  	p0 =	sne.s32 s26, $0xF0  }
0xe4: {  	[tilespmem:v24+s20+$0x0] =	vst.idx.msk $0xffff, v23;
	s25 =	sadd.s32 $0x10, s25;
	s0 =	smov.u32 s26;
	s26 =	sadd.s32 $0x10, s26  }
0xe5: {  	v23 =	vld [tilespmem:s25+$0x0];
	v24 =	vadd.s32 v15, v22;
	_ =	sdelay $0x4  }
0xe6: {  	v24 =	vld.idx.msk [tilespmem:v24+s8+$0x0], $0xffff;
	v25 =	vmul.u32 $0x3, v23;
	_ =	sdelay $0x1  }
0xe7: {  	v23 =	vadd.s32 v20, v22;
	_ =	sdelay $0x3  }
0xe8: {  	[tilespmem:v25+s20+$0x0] =	vst.idx.msk $0xffff, v24  }
0xe9: {  	v23 =	vld.idx.msk [tilespmem:v23+s8+$0x0], $0xffff  }
0xea: {  	v24 =	vadd.s32 $0x1, v25  }
0xeb: {  	v22 =	vadd.s32 v21, v22;
	_ =	sdelay $0x3  }
0xec: {  	[tilespmem:v24+s20+$0x0] =	vst.idx.msk $0xffff, v23  }
0xed: {  	v23 =	vld.idx.msk [tilespmem:v22+s8+$0x0], $0xffff  }
.Ltmp4:
0xee: {  	v24 =	vadd.s32 $0x2, v25;
	(pc) =	sbr.rel @p0 .LBB2_9-.Ltmp4, $3  }
0xef: {  	v22 =	vmov s0  }
0xf0: {  	v22 =	vmul.u32 $0x3, v22;
	_ =	sdelay $0x1  }
0xf1: {  	v22 =	vbroadcast v22, $0x0  }
0xf2: {  	_ =	sdelay $0x3  }
0xf3: {  	[tilespmem:v24+s20+$0x0] =	vst.idx.msk $0xffff, v23;
	s0 =	sadd.s32 $0x10, s25  }
0xf4: {  	v23 =	vld [tilespmem:s0+$0x0]  }
0xf5: {  	v62 =	vadd.s32 v15, v22;
	_ =	sdelay $0x3  }
0xf6: {  	v23 =	vmul.u32 $0x3, v23  }
0xf7: {  	v24 =	vld.idx.msk [tilespmem:v62+s8+$0x0], $0xffff  }
0xf8: {  	v25 =	vadd.s32 v20, v22;
	_ =	sdelay $0x3  }
0xf9: {  	[tilespmem:v23+s20+$0x0] =	vst.idx.msk $0xffff, v24  }
0xfa: {  	v63 =	vadd.s32 $0x1, v23;
	v24 =	vld.idx.msk [tilespmem:v25+s8+$0x0], $0xffff  }
0xfb: {  	v22 =	vadd.s32 v21, v22;
	_ =	sdelay $0x3  }
0xfc: {  	[tilespmem:v63+s20+$0x0] =	vst.idx.msk $0xffff, v24  }
0xfd: {  	v23 =	vadd.s32 $0x2, v23;
	v22 =	vld.idx.msk [tilespmem:v22+s8+$0x0], $0xffff;
	_ =	sdelay $0x4  }
0xfe: {  	[tilespmem:v23+s20+$0x0] =	vst.idx.msk $0xffff, v22  }
0xff: {  	[hbm4b:s5+s19] =	stream.strided.scatter [tilespmem:s20], [sflag:$0x3], $0x300, s7, s19, $0x38;
	[tilespmem:$0x18B80] =	vst v63  }
0x100: {  	_ =	swait.ge [sflag:s14], $0x300  }
0x101: {  	[sflag:s14] =	ssyncset.done $0x0  }
0x102: {  	s31 =	simm.s32 $0x18900;
	[sflag:s14] =	ssyncadd.s32 $0xFFFFFD00  }
0x103: {  	v22 =	vld [tilespmem:s31+$0x0];
	_ =	sdelay $0x3  }
0x104: {  	s25 =	simm.s32 $0x0;
	p0 =	por $0x0, $0x0  }
0x105: {  	s0 =	sand.u32 @p0 $0x70, s25;
	v22 =	vadd.s32 v0, v22  }
0x106: {  	s26 =	simm.s32 $0x18A80;
	[tilespmem:s0+$0x18B00] =	vst @p0 v22  }
0x107: {  	s28 =	simm.s32 $0x1;
	s29 =	simm.s32 $0x18910;
	[tilespmem:s26+$0x0] =	vst @!p0 v22  }
.LBB2_11:
0x108: {  	v22 =	vld [tilespmem:s29+$0x0];
	s0 =	smov.u32 s28  }
0x109: {  	s28 =	sadd.s32 $0x1, s28  }
0x10a: {  	p0 =	sne.s32 s28, $0x10  }
.Ltmp5:
0x10b: {  	(pc) =	sbr.rel @p0 .LBB2_11-.Ltmp5, $4  }
0x10c: {  	s25 =	sadd.s32 $0x10, s25;
	p1 =	sgt.u32 s0, $0x7  }
0x10d: {  	s0 =	sand.u32 @p1 $0x70, s25;
	v22 =	vadd.s32 v0, v22  }
0x10e: {  	s26 =	sadd.s32 $0x10, s26;
	[tilespmem:s0+$0x18B00] =	vst @p1 v22  }
0x10f: {  	s29 =	sadd.s32 $0x10, s29;
	[tilespmem:s26+$0x0] =	vst @!p1 v22  }
0x110: {  	_ =	swait.ge [sflag:s18], $0x8000  }
0x111: {  	[sflag:s18] =	ssyncset.done $0x0  }
0x112: {  	[sflag:s18] =	ssyncadd.s32 $0xFFFF8000  }
0x113: {  	[hbm4b:s2+s19] =	stream.indirect.scatter [tilespmem:s6], [sflag:$0x2], $0x80, s21, s19, $0xb8;
	[tilespmem:$0x18B80] =	vst v63  }
0x114: {  	s3 =	sadd.s32 $0x1, s3  }
0x115: {  	[hbm4b:s2+s19] =	stream.indirect.scatter [tilespmem:s23], [sflag:$0x2], $0x80, s22, s19, $0xb8;
	[tilespmem:$0x18B80] =	vst v63  }
0x116: {  	p0 =	sne.s32 s3, s13;
	_ =	swait.ge [sflag:s24], $0x4000  }
.Ltmp6:
0x117: {  	[sflag:s24] =	ssyncset.done $0x0;
	(pc) =	sbr.rel @p0 .LBB2_2-.Ltmp6, $4  }
0x118: {  	[sflag:s24] =	ssyncadd.s32 $0xFFFFC000  }
0x119: {  	_ =	swait.ge [sflag:s24], $0x4000  }
0x11a: {  	[sflag:s24] =	ssyncset.done $0x0  }
0x11b: {  	[sflag:s24] =	ssyncadd.s32 $0xFFFFC000  }
.LBB2_13:
0x11c: {  	_ =	sfence.sel $0x180000  }
0x11d: {  	[bflag:$0x0] =	sbarrier.arrive $0xFFFF  }
0x11e: {  	_ =	strace $0x90000047  }
0x11f: {  	[bflag:$0x2] =	sbarrier.arrive $0xFFFF  }
0x120: {  	p0 =	sne.s32 s1, $0x0;
	s0 =	rddreg [dreg:$0x5]  }
0x121: {  	s0 =	sadd.s32 @!p0 $0x100000, s0  }
0x122: {  	[sflag:s0] =	ssyncadd.tile.s32 @!p0 $0x1;
	_ =	shalt  }
.Lfunc_end2:
_tile_overlayer_lowered:
.L_overlay_start_2:
0x123: {  	(tag) =	ssettag $0x2  }
0x124: {  	s0 =	rddreg [dreg:$0x0];
	s2 =	stileid.u32  }
0x125: {  	s1 =	rddreg [dreg:$0x1];
	p0 =	sne.s32 s2, $0x0  }
0x126: {  	s3 =	rddreg [dreg:$0x2];
	[bflag:$0x3] =	sbarrier.arrive $0xFFFF;
	s2 =	simm.s32 @!p0 $0x1C03  }
0x127: {  	[timem:s3], [sflag:s2] =	dma.local @!p0 [hbm:s0], s1  }
0x128: {  	s0 =	simm.s32 @!p0 $0x3  }
0x129: {  	_ =	swait.ge @!p0 [sflag:s0], s1  }
0x12a: {  	s1 =	ssub.s32 @!p0 $0x0, s1;
	[sflag:s0] =	ssyncset.done @!p0 $0x0  }
0x12b: {  	[sflag:s0] =	ssyncadd.s32 @!p0 s1  }
0x12c: {  	[bflag:$0x3] =	sbarrier.arrive $0xFFFF  }
0x12d: {  	_ =	shalt  }

</sc_bundles>
